<compile_context>
chip_gen: v7x
topology: tpu7x:2x2x1
jax: 0.10.2.dev20260603
libtpu: 0.0.44.dev20260713+nightly
codegen_flags: <defaults>
</compile_context>

<pallas_src>
import functools

import jax
import jax.numpy as jnp
from jax import lax
from jax.experimental import pallas as pl
from jax.experimental.pallas import tpu as pltpu
from jax.experimental.pallas import tpu_sc as plsc


def _msg_matmul(x, W_msg, nc, hh, ba):
    n, d = x.shape
    nb = n // ba

    def body(x_ref, w_ref, o_ref):
        y = jnp.dot(x_ref[...], w_ref[...],
                    preferred_element_type=jnp.float32)
        for c in range(nc):
            o_ref[c] = y[:, c * hh:(c + 1) * hh]

    return pl.pallas_call(
        body,
        grid=(nb,),
        in_specs=[
            pl.BlockSpec((ba, d), lambda i: (i, 0)),
            pl.BlockSpec((d, nc * hh), lambda i: (0, 0)),
        ],
        out_specs=pl.BlockSpec((nc, ba, hh), lambda i: (0, i, 0)),
        out_shape=jax.ShapeDtypeStruct((nc, n, hh), jnp.float32),
    )(x, W_msg)


def _edge_indices(edge3, e, n, n_pad, e_pad, ch):
    npc = e_pad // ch
    nb = 10
    rb = npc // nb
    ndum = n_pad - n

    def body(e_ref, s_ref, d_ref):
        i = pl.program_id(0)
        pos = (i * (rb * ch)
               + lax.broadcasted_iota(jnp.int32, (rb, ch), 0) * ch
               + lax.broadcasted_iota(jnp.int32, (rb, ch), 1))
        valid = pos < e
        s_ref[...] = jnp.where(valid, e_ref[0], (pos * 97) % n)
        d_ref[...] = jnp.where(valid, e_ref[1], n + pos % ndum)

    return pl.pallas_call(
        body,
        grid=(nb,),
        in_specs=[pl.BlockSpec((2, rb, ch), lambda i: (0, i, 0))],
        out_specs=[pl.BlockSpec((rb, ch), lambda i: (i, 0)),
                   pl.BlockSpec((rb, ch), lambda i: (i, 0))],
        out_shape=[jax.ShapeDtypeStruct((npc, ch), jnp.int32),
                   jax.ShapeDtypeStruct((npc, ch), jnp.int32)],
    )(edge3)


def _segment_sum_sc(src2, dst2, y2, zeros, n, hh, nc, ns, ch):
    npc = dst2.shape[0]
    cpt = npc // ns
    n_pad = zeros.shape[0] * ns
    rpt = zeros.shape[0]

    mesh = plsc.VectorSubcoreMesh(core_axis_name="c", subcore_axis_name="s")

    gblk = 16
    nblk = cpt // gblk
    assert cpt % gblk == 0 and gblk % 2 == 0

    @functools.partial(
        pl.kernel,
        out_type=jax.ShapeDtypeStruct((nc, n_pad, hh), jnp.float32),
        mesh=mesh,
        scratch_types=[
            pltpu.VMEM((cpt, ch), jnp.int32),
            pltpu.VMEM((2, gblk, ch), jnp.int32),
            pltpu.VMEM((2, ch, hh), jnp.float32),
            pltpu.VMEM_SHARED((n_pad, hh), jnp.float32),
            pltpu.SemaphoreType.DMA,
            pltpu.SemaphoreType.DMA,
            pltpu.SemaphoreType.DMA,
            pltpu.SemaphoreType.DMA,
            pltpu.SemaphoreType.DMA,
        ],
    )
    def segsum(src_hbm, dst_hbm, y_hbm, z_hbm, out_hbm, gi, si2, rows, acc,
               gs0, gs1, ss0, ss1, isem):
        c = lax.axis_index("c")
        s = lax.axis_index("s")
        gsem = (gs0, gs1)
        ssem = (ss0, ss1)
        tbl = y_hbm.at[c]
        dbase = s * cpt
        pltpu.sync_copy(src_hbm.at[pl.ds(dbase, cpt)], gi)
        pltpu.sync_copy(dst_hbm.at[pl.ds(dbase, gblk)], si2.at[0])
        pltpu.async_copy(tbl.at[gi.at[0]], rows.at[0], gsem[0])
        pltpu.sync_copy(z_hbm, acc.at[pl.ds(s * rpt, rpt)])
        plsc.subcore_barrier()

        def body(jo, carry):
            sl = lax.rem(jo, 2)

            @pl.when(jo > 0)
            def _():
                pltpu.make_async_copy(
                    dst_hbm.at[pl.ds(dbase + jo * gblk, gblk)],
                    si2.at[sl], isem).wait()

            @pl.when(jo + 1 < nblk)
            def _():
                pltpu.async_copy(
                    dst_hbm.at[pl.ds(dbase + (jo + 1) * gblk, gblk)],
                    si2.at[1 - sl], isem)

            prev_scatter = [None]
            for b in range(gblk):
                j = jo * gblk + b
                buf = b % 2

                if prev_scatter[0] is not None:
                    prev_scatter[0].wait()
                    prev_scatter[0] = None

                @pl.when(j + 1 < cpt)
                def _():
                    pltpu.async_copy(tbl.at[gi.at[j + 1]],
                                     rows.at[1 - buf], gsem[1 - buf])

                pltpu.make_async_copy(tbl.at[gi.at[j]], rows.at[buf],
                                      gsem[buf]).wait()
                if b < gblk - 1:
                    prev_scatter[0] = pltpu.async_copy(
                        rows.at[buf], acc.at[si2.at[sl, b]],
                        ssem[buf], add=True)
                else:
                    pltpu.sync_copy(rows.at[buf], acc.at[si2.at[sl, b]],
                                    add=True)
            return carry

        lax.fori_loop(0, nblk, body, 0)
        plsc.subcore_barrier()
        pltpu.sync_copy(acc.at[pl.ds(s * rpt, rpt)],
                        out_hbm.at[c].at[pl.ds(s * rpt, rpt)])

    return segsum(src2, dst2, y2, zeros)


def _pre_from_x(x, types2, U_cells, b_cells, bc):
    n, d = x.shape
    t1, _, h = U_cells.shape
    nb = n // bc

    def body(x_ref, t_ref, u_ref, b_ref, o_ref):
        xv = x_ref[...]
        tv = t_ref[...]
        out = jnp.zeros((bc, h), jnp.float32)
        for k in range(t1):
            pk = (jnp.dot(xv, u_ref[k], preferred_element_type=jnp.float32)
                  + b_ref[k])
            out = out + jnp.where(tv == k, pk, 0.0)
        o_ref[...] = out

    return pl.pallas_call(
        body,
        grid=(nb,),
        in_specs=[
            pl.BlockSpec((bc, d), lambda i: (i, 0)),
            pl.BlockSpec((bc, 1), lambda i: (i, 0)),
            pl.BlockSpec((t1, d, h), lambda i: (0, 0, 0)),
            pl.BlockSpec((t1, h), lambda i: (0, 0)),
        ],
        out_specs=pl.BlockSpec((bc, h), lambda i: (i, 0)),
        out_shape=jax.ShapeDtypeStruct((n, h), jnp.float32),
    )(x, types2, U_cells, b_cells)


def _apply_cells(agg2, q, types2, W_cells, hh, bc):
    n, h = q.shape
    t1 = W_cells.shape[0]
    nb = n // bc

    def body(agg_ref, q_ref, t_ref, w_ref, o_ref):
        a0 = agg_ref[0]
        a1 = agg_ref[1]
        tv = t_ref[...]
        acc = q_ref[...]
        for k in range(t1):
            wk = w_ref[k]
            pk = (jnp.dot(a0, wk[:hh, :], preferred_element_type=jnp.float32)
                  + jnp.dot(a1, wk[hh:, :], preferred_element_type=jnp.float32))
            acc = acc + jnp.where(tv == k, pk, 0.0)
        o_ref[...] = jnp.tanh(acc)

    return pl.pallas_call(
        body,
        grid=(nb,),
        in_specs=[
            pl.BlockSpec((2, bc, hh), lambda i: (0, i, 0)),
            pl.BlockSpec((bc, h), lambda i: (i, 0)),
            pl.BlockSpec((bc, 1), lambda i: (i, 0)),
            pl.BlockSpec((t1, h, h), lambda i: (0, 0, 0)),
        ],
        out_specs=pl.BlockSpec((bc, h), lambda i: (i, 0)),
        out_shape=jax.ShapeDtypeStruct((n, h), jnp.float32),
    )(agg2, q, types2, W_cells)


def kernel(x, edge_index, types, W_msg, W_cells, U_cells, b_cells):
    n, d = x.shape
    h = W_msg.shape[1]
    e = edge_index.shape[1]
    hh = h // 2
    nc, ns, ch = 2, 16, 128

    gran = ns * ch * 8
    e_pad = ((e + gran - 1) // gran) * gran
    n_pad = ((n + 1 + ns * 8 - 1) // (ns * 8)) * (ns * 8)
    src2, dst2 = _edge_indices(edge_index.reshape(2, e // ch, ch),
                               e, n, n_pad, e_pad, ch)
    zeros = jnp.zeros((n_pad // ns, hh), jnp.float32)

    types2 = types.reshape(n, 1)
    y2 = _msg_matmul(x, W_msg, nc, hh, ba=2000)
    agg2 = _segment_sum_sc(src2, dst2, y2, zeros, n, hh, nc, ns, ch)
    q = _pre_from_x(x, types2, U_cells, b_cells, bc=400)
    out = _apply_cells(agg2, q, types2, W_cells, hh, bc=2000)
    return out

# --- scband reference (transcript-rebuilt; emitter-appended) ---
"""Pipeline reference for scband-typed-48206712930518 (READ-ONLY COPY).

The authoritative reference and input builder live on the scoring server;
editing this copy changes nothing except your own understanding.
"""

import jax, jax.numpy as jnp
import numpy as np

N = 10000   # n_nodes
E = 160000  # n_edges
D = 256     # x_size
H = 256     # h_size
T = 4       # num_types; cell index T is the extra 'default' (-1) cell


def setup_inputs(seed: int = 0) -> dict:
    key = jax.random.key(seed)
    ks = jax.random.split(key, 8)
    x = jax.random.normal(ks[0], (N, D), dtype=jnp.float32)
    edge_index = jax.random.randint(ks[1], (2, E), 0, N, dtype=jnp.int32)
    types = jax.random.randint(ks[2], (N,), 0, T + 1, dtype=jnp.int32)
    # learned parameters: shared message linear + (T+1) per-type cells
    W_msg = jax.random.normal(ks[3], (D, H), dtype=jnp.float32) * (1.0 / np.sqrt(D))
    W_cells = jax.random.normal(ks[4], (T + 1, H, H), dtype=jnp.float32) * (1.0 / np.sqrt(H))
    U_cells = jax.random.normal(ks[5], (T + 1, D, H), dtype=jnp.float32) * (1.0 / np.sqrt(D))
    b_cells = jax.random.normal(ks[6], (T + 1, H), dtype=jnp.float32) * 0.02
    return {"x": x, "edge_index": edge_index, "types": types,
            "W_msg": W_msg, "W_cells": W_cells, "U_cells": U_cells, "b_cells": b_cells}


def reference(x, edge_index, types, W_msg, W_cells, U_cells, b_cells):
    src = edge_index[0]
    dst = edge_index[1]
    # message_func (shared cell_list[0] message): linear transform of source features
    m = jnp.take(x, src, axis=0) @ W_msg                      # gather -> [E, H]
    # reduce_func: sum aggregation of incoming messages per destination node
    agg = jax.ops.segment_sum(m, dst, num_segments=N)          # scatter-add -> [N, H]
    # apply_node_func, dispatched per node type (types==-1 maps to the last extra cell,
    # modeled here as type index T). Torch code loops over types with boolean masks and
    # writes each cell's output into the masked rows; equivalently compute all T+1 cell
    # outputs and gather the row matching each node's type.
    h_all = jnp.tanh(jnp.einsum('nh,thk->tnk', agg, W_cells)
                     + jnp.einsum('nd,tdk->tnk', x, U_cells)
                     + b_cells[:, None, :])                    # [T+1, N, H]
    out = h_all[types, jnp.arange(N)]                          # per-node type select
    return out

if __name__ == "__main__":
    import jax
    _d = setup_inputs()
    print(jax.jit(kernel)(*tuple(_d.values())))

</pallas_src>

<mosaic_0001>
#map = affine_map<(d0, d1) -> (0, 0)>
#map1 = affine_map<(d0, d1) -> (0, 0, 0)>
module attributes {stable_mosaic.version = 14 : i64} {
  func.func @segsum(%arg0: i32, %arg1: i32, %arg2: memref<1280x128xi32, #tpu.memory_space<hbm>>, %arg3: memref<1280x128xi32, #tpu.memory_space<hbm>>, %arg4: memref<2x10000x128xf32, #tpu.memory_space<hbm>>, %arg5: memref<632x128xf32, #tpu.memory_space<hbm>>, %arg6: memref<2x10112x128xf32, #tpu.memory_space<hbm>>, %arg7: memref<80x128xi32, #tpu.memory_space<vmem>>, %arg8: memref<2x16x128xi32, #tpu.memory_space<vmem>>, %arg9: memref<2x128x128xf32, #tpu.memory_space<vmem>>, %arg10: memref<10112x128xf32, #tpu.memory_space<vmem_shared>>, %arg11: memref<!tpu.dma_semaphore, #tpu.memory_space<semaphore_mem>>, %arg12: memref<!tpu.dma_semaphore, #tpu.memory_space<semaphore_mem>>, %arg13: memref<!tpu.dma_semaphore, #tpu.memory_space<semaphore_mem>>, %arg14: memref<!tpu.dma_semaphore, #tpu.memory_space<semaphore_mem>>, %arg15: memref<!tpu.dma_semaphore, #tpu.memory_space<semaphore_mem>>) attributes {dimension_semantics = [#tpu.dimension_semantics<core_parallel>, #tpu.dimension_semantics<subcore_parallel>], iteration_bounds = array<i64: 2, 16>, scalar_prefetch = 0 : i64, scratch_operands = 9 : i64, tpu.core_type = #tpu.core_type<sc_vector_subcore>, window_params = [{transform_indices = #map}, {transform_indices = #map}, {transform_indices = #map1}, {transform_indices = #map}, {transform_indices = #map1}]} {
    %mul3A = arith.constant 80 : i32
    %mul3A_0 = arith.muli %arg1, %mul3A : i32
    "tpu.region"() ({
      %run_scoped3A_28 = tpu.sem_alloc : memref<!tpu.dma_semaphore, #tpu.memory_space<semaphore_mem>>
      %dma_start3A_29 = arith.constant 0 : i32
      %dma_start3A_30 = tpu.memref_slice %arg2[%mul3A_0, %dma_start3A_29] : memref<1280x128xi32, #tpu.memory_space<hbm>> -> memref<80x128xi32, #tpu.memory_space<hbm>>
      %dma_start3A_31 = arith.constant 0 : i32
      %dma_start3A_32 = tpu.memref_slice %arg2[%mul3A_0, %dma_start3A_31] : memref<1280x128xi32, #tpu.memory_space<hbm>> -> memref<80x128xi32, #tpu.memory_space<hbm>>
      tpu.enqueue_dma source(%dma_start3A_32 : memref<80x128xi32, #tpu.memory_space<hbm>>) target(%arg7 : memref<80x128xi32, #tpu.memory_space<vmem>>) target_semaphore(%run_scoped3A_28 : memref<!tpu.dma_semaphore, #tpu.memory_space<semaphore_mem>>)
      %dma_wait3A = arith.constant 0 : i32
      %dma_wait3A_33 = tpu.memref_slice %arg2[%mul3A_0, %dma_wait3A] : memref<1280x128xi32, #tpu.memory_space<hbm>> -> memref<80x128xi32, #tpu.memory_space<hbm>>
      %dma_wait3A_34 = arith.constant 0 : i32
      %dma_wait3A_35 = tpu.memref_slice %arg2[%mul3A_0, %dma_wait3A_34] : memref<1280x128xi32, #tpu.memory_space<hbm>> -> memref<80x128xi32, #tpu.memory_space<hbm>>
      tpu.wait_dma2 semaphore(%run_scoped3A_28 : memref<!tpu.dma_semaphore, #tpu.memory_space<semaphore_mem>>) src(%dma_wait3A_35 : memref<80x128xi32, #tpu.memory_space<hbm>>) dst(%arg7 : memref<80x128xi32, #tpu.memory_space<vmem>>)
      tpu.yield
    }) : () -> ()
    %run_scoped3A = arith.constant 0 : i32
    "tpu.region"() ({
      %run_scoped3A_28 = tpu.sem_alloc : memref<!tpu.dma_semaphore, #tpu.memory_space<semaphore_mem>>
      %dma_start3A_29 = arith.constant 0 : i32
      %dma_start3A_30 = arith.constant 0 : i32
      %dma_start3A_31 = tpu.memref_slice %arg8[%run_scoped3A, %dma_start3A_29, %dma_start3A_30] : memref<2x16x128xi32, #tpu.memory_space<vmem>> -> memref<1x16x128xi32, #tpu.memory_space<vmem>>
      %dma_start3A_32 = tpu.memref_squeeze %dma_start3A_31 : memref<1x16x128xi32, #tpu.memory_space<vmem>> -> memref<16x128xi32, #tpu.memory_space<vmem>>
      %dma_start3A_33 = arith.constant 0 : i32
      %dma_start3A_34 = tpu.memref_slice %arg3[%mul3A_0, %dma_start3A_33] : memref<1280x128xi32, #tpu.memory_space<hbm>> -> memref<16x128xi32, #tpu.memory_space<hbm>>
      %dma_start3A_35 = arith.constant 0 : i32
      %dma_start3A_36 = arith.constant 0 : i32
      %dma_start3A_37 = tpu.memref_slice %arg8[%run_scoped3A, %dma_start3A_35, %dma_start3A_36] : memref<2x16x128xi32, #tpu.memory_space<vmem>> -> memref<1x16x128xi32, #tpu.memory_space<vmem>>
      %dma_start3A_38 = tpu.memref_squeeze %dma_start3A_37 : memref<1x16x128xi32, #tpu.memory_space<vmem>> -> memref<16x128xi32, #tpu.memory_space<vmem>>
      %dma_start3A_39 = arith.constant 0 : i32
      %dma_start3A_40 = tpu.memref_slice %arg3[%mul3A_0, %dma_start3A_39] : memref<1280x128xi32, #tpu.memory_space<hbm>> -> memref<16x128xi32, #tpu.memory_space<hbm>>
      tpu.enqueue_dma source(%dma_start3A_40 : memref<16x128xi32, #tpu.memory_space<hbm>>) target(%dma_start3A_38 : memref<16x128xi32, #tpu.memory_space<vmem>>) target_semaphore(%run_scoped3A_28 : memref<!tpu.dma_semaphore, #tpu.memory_space<semaphore_mem>>)
      %dma_wait3A = arith.constant 0 : i32
      %dma_wait3A_41 = arith.constant 0 : i32
      %dma_wait3A_42 = tpu.memref_slice %arg8[%run_scoped3A, %dma_wait3A, %dma_wait3A_41] : memref<2x16x128xi32, #tpu.memory_space<vmem>> -> memref<1x16x128xi32, #tpu.memory_space<vmem>>
      %dma_wait3A_43 = tpu.memref_squeeze %dma_wait3A_42 : memref<1x16x128xi32, #tpu.memory_space<vmem>> -> memref<16x128xi32, #tpu.memory_space<vmem>>
      %dma_wait3A_44 = arith.constant 0 : i32
      %dma_wait3A_45 = tpu.memref_slice %arg3[%mul3A_0, %dma_wait3A_44] : memref<1280x128xi32, #tpu.memory_space<hbm>> -> memref<16x128xi32, #tpu.memory_space<hbm>>
      %dma_wait3A_46 = arith.constant 0 : i32
      %dma_wait3A_47 = arith.constant 0 : i32
      %dma_wait3A_48 = tpu.memref_slice %arg8[%run_scoped3A, %dma_wait3A_46, %dma_wait3A_47] : memref<2x16x128xi32, #tpu.memory_space<vmem>> -> memref<1x16x128xi32, #tpu.memory_space<vmem>>
      %dma_wait3A_49 = tpu.memref_squeeze %dma_wait3A_48 : memref<1x16x128xi32, #tpu.memory_space<vmem>> -> memref<16x128xi32, #tpu.memory_space<vmem>>
      %dma_wait3A_50 = arith.constant 0 : i32
      %dma_wait3A_51 = tpu.memref_slice %arg3[%mul3A_0, %dma_wait3A_50] : memref<1280x128xi32, #tpu.memory_space<hbm>> -> memref<16x128xi32, #tpu.memory_space<hbm>>
      tpu.wait_dma2 semaphore(%run_scoped3A_28 : memref<!tpu.dma_semaphore, #tpu.memory_space<semaphore_mem>>) src(%dma_wait3A_51 : memref<16x128xi32, #tpu.memory_space<hbm>>) dst(%dma_wait3A_49 : memref<16x128xi32, #tpu.memory_space<vmem>>)
      tpu.yield
    }) : () -> ()
    %dma_start3A = arith.constant 0 : i32
    %dma_start3A_1 = arith.constant 0 : i32
    %dma_start3A_2 = arith.constant 0 : i32
    %dma_start3A_3 = arith.constant 0 : i32
    %dma_start3A_4 = tpu.memref_slice %arg9[%dma_start3A_1, %dma_start3A_2, %dma_start3A_3] : memref<2x128x128xf32, #tpu.memory_space<vmem>> -> memref<1x128x128xf32, #tpu.memory_space<vmem>>
    %dma_start3A_5 = tpu.memref_squeeze %dma_start3A_4 : memref<1x128x128xf32, #tpu.memory_space<vmem>> -> memref<128x128xf32, #tpu.memory_space<vmem>>
    %dma_start3A_6 = arith.constant 0 : i32
    %dma_start3A_7 = tpu.memref_slice %arg7[%dma_start3A, %dma_start3A_6] : memref<80x128xi32, #tpu.memory_space<vmem>> -> memref<1x128xi32, #tpu.memory_space<vmem>>
    %dma_start3A_8 = tpu.memref_squeeze %dma_start3A_7 : memref<1x128xi32, #tpu.memory_space<vmem>> -> memref<128xi32, #tpu.memory_space<vmem>>
    %dma_start3A_9 = arith.constant 0 : i32
    %dma_start3A_10 = arith.constant 0 : i32
    %dma_start3A_11 = tpu.memref_slice %arg4[%arg0, %dma_start3A_9, %dma_start3A_10] : memref<2x10000x128xf32, #tpu.memory_space<hbm>> -> memref<1x10000x128xf32, #tpu.memory_space<hbm>>
    %dma_start3A_12 = tpu.memref_squeeze %dma_start3A_11 : memref<1x10000x128xf32, #tpu.memory_space<hbm>> -> memref<10000x128xf32, #tpu.memory_space<hbm>>
    %dma_start3A_13 = arith.constant 0 : i32
    %dma_start3A_14 = arith.constant 0 : i32
    %dma_start3A_15 = tpu.memref_slice %dma_start3A_12[%dma_start3A_13, %dma_start3A_14] : memref<10000x128xf32, #tpu.memory_space<hbm>> -> memref<10000x128xf32, #tpu.memory_space<hbm>>
    tpu.enqueue_indirect_dma source(%dma_start3A_15 : memref<10000x128xf32, #tpu.memory_space<hbm>>) target(%dma_start3A_5 : memref<128x128xf32, #tpu.memory_space<vmem>>) offsets(%dma_start3A_8 : memref<128xi32, #tpu.memory_space<vmem>>) semaphore(%arg11 : memref<!tpu.dma_semaphore, #tpu.memory_space<semaphore_mem>>)
    %mul3A_16 = arith.constant 632 : i32
    %mul3A_17 = arith.muli %arg1, %mul3A_16 : i32
    "tpu.region"() ({
      %run_scoped3A_28 = tpu.sem_alloc : memref<!tpu.dma_semaphore, #tpu.memory_space<semaphore_mem>>
      %dma_start3A_29 = arith.constant 0 : i32
      %dma_start3A_30 = tpu.memref_slice %arg10[%mul3A_17, %dma_start3A_29] : memref<10112x128xf32, #tpu.memory_space<vmem_shared>> -> memref<632x128xf32, #tpu.memory_space<vmem_shared>>
      tpu.enqueue_dma source(%arg5 : memref<632x128xf32, #tpu.memory_space<hbm>>) target(%dma_start3A_30 : memref<632x128xf32, #tpu.memory_space<vmem_shared>>) target_semaphore(%run_scoped3A_28 : memref<!tpu.dma_semaphore, #tpu.memory_space<semaphore_mem>>)
      %dma_wait3A = arith.constant 0 : i32
      %dma_wait3A_31 = tpu.memref_slice %arg10[%mul3A_17, %dma_wait3A] : memref<10112x128xf32, #tpu.memory_space<vmem_shared>> -> memref<632x128xf32, #tpu.memory_space<vmem_shared>>
      tpu.wait_dma2 semaphore(%run_scoped3A_28 : memref<!tpu.dma_semaphore, #tpu.memory_space<semaphore_mem>>) src(%arg5 : memref<632x128xf32, #tpu.memory_space<hbm>>) dst(%dma_wait3A_31 : memref<632x128xf32, #tpu.memory_space<vmem_shared>>)
      tpu.yield
    }) : () -> ()
    %barrier3A = arith.constant 0 : index
    tpu.barrier barrier_id(%barrier3A)
    %scan3A = arith.constant 0 : i32
    %scan3A_18 = arith.constant 0 : i32
    %scan3A_19 = arith.constant 5 : i32
    %scan3A_20 = arith.addi %scan3A_18, %scan3A_19 : i32
    %scan3A_21 = arith.constant 1 : i32
    scf.for %scan3A_28 = %scan3A_18 to %scan3A_20 step %scan3A_21  : i32 {
      %rem3A = arith.constant 2 : i32
      %rem3A_29 = arith.remsi %scan3A_28, %rem3A : i32
      %gt3A = arith.constant 0 : i32
      %gt3A_30 = arith.cmpi sgt, %scan3A_28, %gt3A : i32
      %convert_element_type3A = arith.extui %gt3A_30 : i1 to i32
      %cond3A = arith.constant 0 : i32
      %cond3A_31 = arith.cmpi ne, %convert_element_type3A, %cond3A : i32
      scf.if %cond3A_31 {
        %mul3A_814 = arith.constant 16 : i32
        %mul3A_815 = arith.muli %scan3A_28, %mul3A_814 : i32
        %add3A_816 = arith.addi %mul3A_0, %mul3A_815 : i32
        %dma_wait3A_817 = arith.constant 0 : i32
        %dma_wait3A_818 = arith.constant 0 : i32
        %dma_wait3A_819 = tpu.memref_slice %arg8[%rem3A_29, %dma_wait3A_817, %dma_wait3A_818] : memref<2x16x128xi32, #tpu.memory_space<vmem>> -> memref<1x16x128xi32, #tpu.memory_space<vmem>>
        %dma_wait3A_820 = tpu.memref_squeeze %dma_wait3A_819 : memref<1x16x128xi32, #tpu.memory_space<vmem>> -> memref<16x128xi32, #tpu.memory_space<vmem>>
        %dma_wait3A_821 = arith.constant 0 : i32
        %dma_wait3A_822 = tpu.memref_slice %arg3[%add3A_816, %dma_wait3A_821] : memref<1280x128xi32, #tpu.memory_space<hbm>> -> memref<16x128xi32, #tpu.memory_space<hbm>>
        %dma_wait3A_823 = arith.constant 0 : i32
        %dma_wait3A_824 = arith.constant 0 : i32
        %dma_wait3A_825 = tpu.memref_slice %arg8[%rem3A_29, %dma_wait3A_823, %dma_wait3A_824] : memref<2x16x128xi32, #tpu.memory_space<vmem>> -> memref<1x16x128xi32, #tpu.memory_space<vmem>>
        %dma_wait3A_826 = tpu.memref_squeeze %dma_wait3A_825 : memref<1x16x128xi32, #tpu.memory_space<vmem>> -> memref<16x128xi32, #tpu.memory_space<vmem>>
        %dma_wait3A_827 = arith.constant 0 : i32
        %dma_wait3A_828 = tpu.memref_slice %arg3[%add3A_816, %dma_wait3A_827] : memref<1280x128xi32, #tpu.memory_space<hbm>> -> memref<16x128xi32, #tpu.memory_space<hbm>>
        tpu.wait_dma2 semaphore(%arg15 : memref<!tpu.dma_semaphore, #tpu.memory_space<semaphore_mem>>) src(%dma_wait3A_828 : memref<16x128xi32, #tpu.memory_space<hbm>>) dst(%dma_wait3A_826 : memref<16x128xi32, #tpu.memory_space<vmem>>)
      } else {
      }
      %add3A = arith.constant 1 : i32
      %add3A_32 = arith.addi %scan3A_28, %add3A : i32
      %lt3A = arith.constant 5 : i32
      %lt3A_33 = arith.cmpi slt, %add3A_32, %lt3A : i32
      %convert_element_type3A_34 = arith.extui %lt3A_33 : i1 to i32
      %cond3A_35 = arith.constant 0 : i32
      %cond3A_36 = arith.cmpi ne, %convert_element_type3A_34, %cond3A_35 : i32
      scf.if %cond3A_36 {
        %add3A_814 = arith.constant 1 : i32
        %add3A_815 = arith.addi %scan3A_28, %add3A_814 : i32
        %mul3A_816 = arith.constant 16 : i32
        %mul3A_817 = arith.muli %add3A_815, %mul3A_816 : i32
        %add3A_818 = arith.addi %mul3A_0, %mul3A_817 : i32
        %sub3A = arith.constant 1 : i32
        %sub3A_819 = arith.subi %sub3A, %rem3A_29 : i32
        %dma_start3A_820 = arith.constant 0 : i32
        %dma_start3A_821 = arith.constant 0 : i32
        %dma_start3A_822 = tpu.memref_slice %arg8[%sub3A_819, %dma_start3A_820, %dma_start3A_821] : memref<2x16x128xi32, #tpu.memory_space<vmem>> -> memref<1x16x128xi32, #tpu.memory_space<vmem>>
        %dma_start3A_823 = tpu.memref_squeeze %dma_start3A_822 : memref<1x16x128xi32, #tpu.memory_space<vmem>> -> memref<16x128xi32, #tpu.memory_space<vmem>>
        %dma_start3A_824 = arith.constant 0 : i32
        %dma_start3A_825 = tpu.memref_slice %arg3[%add3A_818, %dma_start3A_824] : memref<1280x128xi32, #tpu.memory_space<hbm>> -> memref<16x128xi32, #tpu.memory_space<hbm>>
        %dma_start3A_826 = arith.constant 0 : i32
        %dma_start3A_827 = arith.constant 0 : i32
        %dma_start3A_828 = tpu.memref_slice %arg8[%sub3A_819, %dma_start3A_826, %dma_start3A_827] : memref<2x16x128xi32, #tpu.memory_space<vmem>> -> memref<1x16x128xi32, #tpu.memory_space<vmem>>
        %dma_start3A_829 = tpu.memref_squeeze %dma_start3A_828 : memref<1x16x128xi32, #tpu.memory_space<vmem>> -> memref<16x128xi32, #tpu.memory_space<vmem>>
        %dma_start3A_830 = arith.constant 0 : i32
        %dma_start3A_831 = tpu.memref_slice %arg3[%add3A_818, %dma_start3A_830] : memref<1280x128xi32, #tpu.memory_space<hbm>> -> memref<16x128xi32, #tpu.memory_space<hbm>>
        tpu.enqueue_dma source(%dma_start3A_831 : memref<16x128xi32, #tpu.memory_space<hbm>>) target(%dma_start3A_829 : memref<16x128xi32, #tpu.memory_space<vmem>>) target_semaphore(%arg15 : memref<!tpu.dma_semaphore, #tpu.memory_space<semaphore_mem>>)
      } else {
      }
      %mul3A_37 = arith.constant 16 : i32
      %mul3A_38 = arith.muli %scan3A_28, %mul3A_37 : i32
      %add3A_39 = arith.constant 0 : i32
      %add3A_40 = arith.addi %mul3A_38, %add3A_39 : i32
      %add3A_41 = arith.constant 1 : i32
      %add3A_42 = arith.addi %add3A_40, %add3A_41 : i32
      %lt3A_43 = arith.constant 80 : i32
      %lt3A_44 = arith.cmpi slt, %add3A_42, %lt3A_43 : i32
      %convert_element_type3A_45 = arith.extui %lt3A_44 : i1 to i32
      %cond3A_46 = arith.constant 0 : i32
      %cond3A_47 = arith.cmpi ne, %convert_element_type3A_45, %cond3A_46 : i32
      scf.if %cond3A_47 {
        %add3A_814 = arith.constant 1 : i32
        %add3A_815 = arith.addi %add3A_40, %add3A_814 : i32
        %dma_start3A_816 = arith.constant 1 : i32
        %dma_start3A_817 = arith.constant 0 : i32
        %dma_start3A_818 = arith.constant 0 : i32
        %dma_start3A_819 = tpu.memref_slice %arg9[%dma_start3A_816, %dma_start3A_817, %dma_start3A_818] : memref<2x128x128xf32, #tpu.memory_space<vmem>> -> memref<1x128x128xf32, #tpu.memory_space<vmem>>
        %dma_start3A_820 = tpu.memref_squeeze %dma_start3A_819 : memref<1x128x128xf32, #tpu.memory_space<vmem>> -> memref<128x128xf32, #tpu.memory_space<vmem>>
        %dma_start3A_821 = arith.constant 0 : i32
        %dma_start3A_822 = tpu.memref_slice %arg7[%add3A_815, %dma_start3A_821] : memref<80x128xi32, #tpu.memory_space<vmem>> -> memref<1x128xi32, #tpu.memory_space<vmem>>
        %dma_start3A_823 = tpu.memref_squeeze %dma_start3A_822 : memref<1x128xi32, #tpu.memory_space<vmem>> -> memref<128xi32, #tpu.memory_space<vmem>>
        %dma_start3A_824 = arith.constant 0 : i32
        %dma_start3A_825 = arith.constant 0 : i32
        %dma_start3A_826 = tpu.memref_slice %arg4[%arg0, %dma_start3A_824, %dma_start3A_825] : memref<2x10000x128xf32, #tpu.memory_space<hbm>> -> memref<1x10000x128xf32, #tpu.memory_space<hbm>>
        %dma_start3A_827 = tpu.memref_squeeze %dma_start3A_826 : memref<1x10000x128xf32, #tpu.memory_space<hbm>> -> memref<10000x128xf32, #tpu.memory_space<hbm>>
        %dma_start3A_828 = arith.constant 0 : i32
        %dma_start3A_829 = arith.constant 0 : i32
        %dma_start3A_830 = tpu.memref_slice %dma_start3A_827[%dma_start3A_828, %dma_start3A_829] : memref<10000x128xf32, #tpu.memory_space<hbm>> -> memref<10000x128xf32, #tpu.memory_space<hbm>>
        tpu.enqueue_indirect_dma source(%dma_start3A_830 : memref<10000x128xf32, #tpu.memory_space<hbm>>) target(%dma_start3A_820 : memref<128x128xf32, #tpu.memory_space<vmem>>) offsets(%dma_start3A_823 : memref<128xi32, #tpu.memory_space<vmem>>) semaphore(%arg12 : memref<!tpu.dma_semaphore, #tpu.memory_space<semaphore_mem>>)
      } else {
      }
      %dma_wait3A = arith.constant 0 : i32
      %dma_wait3A_48 = arith.constant 0 : i32
      %dma_wait3A_49 = arith.constant 0 : i32
      %dma_wait3A_50 = tpu.memref_slice %arg9[%dma_wait3A, %dma_wait3A_48, %dma_wait3A_49] : memref<2x128x128xf32, #tpu.memory_space<vmem>> -> memref<1x128x128xf32, #tpu.memory_space<vmem>>
      %dma_wait3A_51 = tpu.memref_squeeze %dma_wait3A_50 : memref<1x128x128xf32, #tpu.memory_space<vmem>> -> memref<128x128xf32, #tpu.memory_space<vmem>>
      %dma_wait3A_52 = arith.constant 0 : i32
      %dma_wait3A_53 = tpu.memref_slice %arg7[%add3A_40, %dma_wait3A_52] : memref<80x128xi32, #tpu.memory_space<vmem>> -> memref<1x128xi32, #tpu.memory_space<vmem>>
      %dma_wait3A_54 = tpu.memref_squeeze %dma_wait3A_53 : memref<1x128xi32, #tpu.memory_space<vmem>> -> memref<128xi32, #tpu.memory_space<vmem>>
      %dma_wait3A_55 = arith.constant 0 : i32
      %dma_wait3A_56 = arith.constant 0 : i32
      %dma_wait3A_57 = tpu.memref_slice %arg4[%arg0, %dma_wait3A_55, %dma_wait3A_56] : memref<2x10000x128xf32, #tpu.memory_space<hbm>> -> memref<1x10000x128xf32, #tpu.memory_space<hbm>>
      %dma_wait3A_58 = tpu.memref_squeeze %dma_wait3A_57 : memref<1x10000x128xf32, #tpu.memory_space<hbm>> -> memref<10000x128xf32, #tpu.memory_space<hbm>>
      %dma_wait3A_59 = arith.constant 0 : i32
      %dma_wait3A_60 = arith.constant 0 : i32
      %dma_wait3A_61 = tpu.memref_slice %dma_wait3A_58[%dma_wait3A_59, %dma_wait3A_60] : memref<10000x128xf32, #tpu.memory_space<hbm>> -> memref<10000x128xf32, #tpu.memory_space<hbm>>
      tpu.wait_indirect_dma semaphore(%arg11 : memref<!tpu.dma_semaphore, #tpu.memory_space<semaphore_mem>>) src(%dma_wait3A_61 : memref<10000x128xf32, #tpu.memory_space<hbm>>) dst(%dma_wait3A_51 : memref<128x128xf32, #tpu.memory_space<vmem>>)
      %dma_start3A_62 = arith.constant 0 : i32
      %dma_start3A_63 = arith.constant 0 : i32
      %dma_start3A_64 = arith.constant 0 : i32
      %dma_start3A_65 = arith.constant 0 : i32
      %dma_start3A_66 = tpu.memref_slice %arg9[%dma_start3A_62, %dma_start3A_64, %dma_start3A_65] : memref<2x128x128xf32, #tpu.memory_space<vmem>> -> memref<1x128x128xf32, #tpu.memory_space<vmem>>
      %dma_start3A_67 = tpu.memref_squeeze %dma_start3A_66 : memref<1x128x128xf32, #tpu.memory_space<vmem>> -> memref<128x128xf32, #tpu.memory_space<vmem>>
      %dma_start3A_68 = arith.constant 0 : i32
      %dma_start3A_69 = tpu.memref_slice %arg8[%rem3A_29, %dma_start3A_63, %dma_start3A_68] : memref<2x16x128xi32, #tpu.memory_space<vmem>> -> memref<1x1x128xi32, #tpu.memory_space<vmem>>
      %dma_start3A_70 = tpu.memref_squeeze %dma_start3A_69 : memref<1x1x128xi32, #tpu.memory_space<vmem>> -> memref<128xi32, #tpu.memory_space<vmem>>
      %dma_start3A_71 = arith.constant 0 : i32
      %dma_start3A_72 = arith.constant 0 : i32
      %dma_start3A_73 = tpu.memref_slice %arg10[%dma_start3A_71, %dma_start3A_72] : memref<10112x128xf32, #tpu.memory_space<vmem_shared>> -> memref<10112x128xf32, #tpu.memory_space<vmem_shared>>
      tpu.enqueue_indirect_dma source(%dma_start3A_67 : memref<128x128xf32, #tpu.memory_space<vmem>>) target(%dma_start3A_73 : memref<10112x128xf32, #tpu.memory_space<vmem_shared>>) offsets(%dma_start3A_70 : memref<128xi32, #tpu.memory_space<vmem>>) semaphore(%arg13 : memref<!tpu.dma_semaphore, #tpu.memory_space<semaphore_mem>>) {add = true}
      %mul3A_74 = arith.constant 16 : i32
      %mul3A_75 = arith.muli %scan3A_28, %mul3A_74 : i32
      %add3A_76 = arith.constant 1 : i32
      %add3A_77 = arith.addi %mul3A_75, %add3A_76 : i32
      %dma_wait3A_78 = arith.constant 0 : i32
      %dma_wait3A_79 = arith.constant 0 : i32
      %dma_wait3A_80 = arith.constant 0 : i32
      %dma_wait3A_81 = arith.constant 0 : i32
      %dma_wait3A_82 = tpu.memref_slice %arg9[%dma_wait3A_78, %dma_wait3A_80, %dma_wait3A_81] : memref<2x128x128xf32, #tpu.memory_space<vmem>> -> memref<1x128x128xf32, #tpu.memory_space<vmem>>
      %dma_wait3A_83 = tpu.memref_squeeze %dma_wait3A_82 : memref<1x128x128xf32, #tpu.memory_space<vmem>> -> memref<128x128xf32, #tpu.memory_space<vmem>>
      %dma_wait3A_84 = arith.constant 0 : i32
      %dma_wait3A_85 = tpu.memref_slice %arg8[%rem3A_29, %dma_wait3A_79, %dma_wait3A_84] : memref<2x16x128xi32, #tpu.memory_space<vmem>> -> memref<1x1x128xi32, #tpu.memory_space<vmem>>
      %dma_wait3A_86 = tpu.memref_squeeze %dma_wait3A_85 : memref<1x1x128xi32, #tpu.memory_space<vmem>> -> memref<128xi32, #tpu.memory_space<vmem>>
      %dma_wait3A_87 = arith.constant 0 : i32
      %dma_wait3A_88 = arith.constant 0 : i32
      %dma_wait3A_89 = tpu.memref_slice %arg10[%dma_wait3A_87, %dma_wait3A_88] : memref<10112x128xf32, #tpu.memory_space<vmem_shared>> -> memref<10112x128xf32, #tpu.memory_space<vmem_shared>>
      tpu.wait_indirect_dma semaphore(%arg13 : memref<!tpu.dma_semaphore, #tpu.memory_space<semaphore_mem>>) src(%dma_wait3A_83 : memref<128x128xf32, #tpu.memory_space<vmem>>) dst(%dma_wait3A_89 : memref<10112x128xf32, #tpu.memory_space<vmem_shared>>)
      %add3A_90 = arith.constant 1 : i32
      %add3A_91 = arith.addi %add3A_77, %add3A_90 : i32
      %lt3A_92 = arith.constant 80 : i32
      %lt3A_93 = arith.cmpi slt, %add3A_91, %lt3A_92 : i32
      %convert_element_type3A_94 = arith.extui %lt3A_93 : i1 to i32
      %cond3A_95 = arith.constant 0 : i32
      %cond3A_96 = arith.cmpi ne, %convert_element_type3A_94, %cond3A_95 : i32
      scf.if %cond3A_96 {
        %add3A_814 = arith.constant 1 : i32
        %add3A_815 = arith.addi %add3A_77, %add3A_814 : i32
        %dma_start3A_816 = arith.constant 0 : i32
        %dma_start3A_817 = arith.constant 0 : i32
        %dma_start3A_818 = arith.constant 0 : i32
        %dma_start3A_819 = tpu.memref_slice %arg9[%dma_start3A_816, %dma_start3A_817, %dma_start3A_818] : memref<2x128x128xf32, #tpu.memory_space<vmem>> -> memref<1x128x128xf32, #tpu.memory_space<vmem>>
        %dma_start3A_820 = tpu.memref_squeeze %dma_start3A_819 : memref<1x128x128xf32, #tpu.memory_space<vmem>> -> memref<128x128xf32, #tpu.memory_space<vmem>>
        %dma_start3A_821 = arith.constant 0 : i32
        %dma_start3A_822 = tpu.memref_slice %arg7[%add3A_815, %dma_start3A_821] : memref<80x128xi32, #tpu.memory_space<vmem>> -> memref<1x128xi32, #tpu.memory_space<vmem>>
        %dma_start3A_823 = tpu.memref_squeeze %dma_start3A_822 : memref<1x128xi32, #tpu.memory_space<vmem>> -> memref<128xi32, #tpu.memory_space<vmem>>
        %dma_start3A_824 = arith.constant 0 : i32
        %dma_start3A_825 = arith.constant 0 : i32
        %dma_start3A_826 = tpu.memref_slice %arg4[%arg0, %dma_start3A_824, %dma_start3A_825] : memref<2x10000x128xf32, #tpu.memory_space<hbm>> -> memref<1x10000x128xf32, #tpu.memory_space<hbm>>
        %dma_start3A_827 = tpu.memref_squeeze %dma_start3A_826 : memref<1x10000x128xf32, #tpu.memory_space<hbm>> -> memref<10000x128xf32, #tpu.memory_space<hbm>>
        %dma_start3A_828 = arith.constant 0 : i32
        %dma_start3A_829 = arith.constant 0 : i32
        %dma_start3A_830 = tpu.memref_slice %dma_start3A_827[%dma_start3A_828, %dma_start3A_829] : memref<10000x128xf32, #tpu.memory_space<hbm>> -> memref<10000x128xf32, #tpu.memory_space<hbm>>
        tpu.enqueue_indirect_dma source(%dma_start3A_830 : memref<10000x128xf32, #tpu.memory_space<hbm>>) target(%dma_start3A_820 : memref<128x128xf32, #tpu.memory_space<vmem>>) offsets(%dma_start3A_823 : memref<128xi32, #tpu.memory_space<vmem>>) semaphore(%arg11 : memref<!tpu.dma_semaphore, #tpu.memory_space<semaphore_mem>>)
      } else {
      }
      %dma_wait3A_97 = arith.constant 1 : i32
      %dma_wait3A_98 = arith.constant 0 : i32
      %dma_wait3A_99 = arith.constant 0 : i32
      %dma_wait3A_100 = tpu.memref_slice %arg9[%dma_wait3A_97, %dma_wait3A_98, %dma_wait3A_99] : memref<2x128x128xf32, #tpu.memory_space<vmem>> -> memref<1x128x128xf32, #tpu.memory_space<vmem>>
      %dma_wait3A_101 = tpu.memref_squeeze %dma_wait3A_100 : memref<1x128x128xf32, #tpu.memory_space<vmem>> -> memref<128x128xf32, #tpu.memory_space<vmem>>
      %dma_wait3A_102 = arith.constant 0 : i32
      %dma_wait3A_103 = tpu.memref_slice %arg7[%add3A_77, %dma_wait3A_102] : memref<80x128xi32, #tpu.memory_space<vmem>> -> memref<1x128xi32, #tpu.memory_space<vmem>>
      %dma_wait3A_104 = tpu.memref_squeeze %dma_wait3A_103 : memref<1x128xi32, #tpu.memory_space<vmem>> -> memref<128xi32, #tpu.memory_space<vmem>>
      %dma_wait3A_105 = arith.constant 0 : i32
      %dma_wait3A_106 = arith.constant 0 : i32
      %dma_wait3A_107 = tpu.memref_slice %arg4[%arg0, %dma_wait3A_105, %dma_wait3A_106] : memref<2x10000x128xf32, #tpu.memory_space<hbm>> -> memref<1x10000x128xf32, #tpu.memory_space<hbm>>
      %dma_wait3A_108 = tpu.memref_squeeze %dma_wait3A_107 : memref<1x10000x128xf32, #tpu.memory_space<hbm>> -> memref<10000x128xf32, #tpu.memory_space<hbm>>
      %dma_wait3A_109 = arith.constant 0 : i32
      %dma_wait3A_110 = arith.constant 0 : i32
      %dma_wait3A_111 = tpu.memref_slice %dma_wait3A_108[%dma_wait3A_109, %dma_wait3A_110] : memref<10000x128xf32, #tpu.memory_space<hbm>> -> memref<10000x128xf32, #tpu.memory_space<hbm>>
      tpu.wait_indirect_dma semaphore(%arg12 : memref<!tpu.dma_semaphore, #tpu.memory_space<semaphore_mem>>) src(%dma_wait3A_111 : memref<10000x128xf32, #tpu.memory_space<hbm>>) dst(%dma_wait3A_101 : memref<128x128xf32, #tpu.memory_space<vmem>>)
      %dma_start3A_112 = arith.constant 1 : i32
      %dma_start3A_113 = arith.constant 1 : i32
      %dma_start3A_114 = arith.constant 0 : i32
      %dma_start3A_115 = arith.constant 0 : i32
      %dma_start3A_116 = tpu.memref_slice %arg9[%dma_start3A_112, %dma_start3A_114, %dma_start3A_115] : memref<2x128x128xf32, #tpu.memory_space<vmem>> -> memref<1x128x128xf32, #tpu.memory_space<vmem>>
      %dma_start3A_117 = tpu.memref_squeeze %dma_start3A_116 : memref<1x128x128xf32, #tpu.memory_space<vmem>> -> memref<128x128xf32, #tpu.memory_space<vmem>>
      %dma_start3A_118 = arith.constant 0 : i32
      %dma_start3A_119 = tpu.memref_slice %arg8[%rem3A_29, %dma_start3A_113, %dma_start3A_118] : memref<2x16x128xi32, #tpu.memory_space<vmem>> -> memref<1x1x128xi32, #tpu.memory_space<vmem>>
      %dma_start3A_120 = tpu.memref_squeeze %dma_start3A_119 : memref<1x1x128xi32, #tpu.memory_space<vmem>> -> memref<128xi32, #tpu.memory_space<vmem>>
      %dma_start3A_121 = arith.constant 0 : i32
      %dma_start3A_122 = arith.constant 0 : i32
      %dma_start3A_123 = tpu.memref_slice %arg10[%dma_start3A_121, %dma_start3A_122] : memref<10112x128xf32, #tpu.memory_space<vmem_shared>> -> memref<10112x128xf32, #tpu.memory_space<vmem_shared>>
      tpu.enqueue_indirect_dma source(%dma_start3A_117 : memref<128x128xf32, #tpu.memory_space<vmem>>) target(%dma_start3A_123 : memref<10112x128xf32, #tpu.memory_space<vmem_shared>>) offsets(%dma_start3A_120 : memref<128xi32, #tpu.memory_space<vmem>>) semaphore(%arg14 : memref<!tpu.dma_semaphore, #tpu.memory_space<semaphore_mem>>) {add = true}
      %mul3A_124 = arith.constant 16 : i32
      %mul3A_125 = arith.muli %scan3A_28, %mul3A_124 : i32
      %add3A_126 = arith.constant 2 : i32
      %add3A_127 = arith.addi %mul3A_125, %add3A_126 : i32
      %dma_wait3A_128 = arith.constant 1 : i32
      %dma_wait3A_129 = arith.constant 1 : i32
      %dma_wait3A_130 = arith.constant 0 : i32
      %dma_wait3A_131 = arith.constant 0 : i32
      %dma_wait3A_132 = tpu.memref_slice %arg9[%dma_wait3A_128, %dma_wait3A_130, %dma_wait3A_131] : memref<2x128x128xf32, #tpu.memory_space<vmem>> -> memref<1x128x128xf32, #tpu.memory_space<vmem>>
      %dma_wait3A_133 = tpu.memref_squeeze %dma_wait3A_132 : memref<1x128x128xf32, #tpu.memory_space<vmem>> -> memref<128x128xf32, #tpu.memory_space<vmem>>
      %dma_wait3A_134 = arith.constant 0 : i32
      %dma_wait3A_135 = tpu.memref_slice %arg8[%rem3A_29, %dma_wait3A_129, %dma_wait3A_134] : memref<2x16x128xi32, #tpu.memory_space<vmem>> -> memref<1x1x128xi32, #tpu.memory_space<vmem>>
      %dma_wait3A_136 = tpu.memref_squeeze %dma_wait3A_135 : memref<1x1x128xi32, #tpu.memory_space<vmem>> -> memref<128xi32, #tpu.memory_space<vmem>>
      %dma_wait3A_137 = arith.constant 0 : i32
      %dma_wait3A_138 = arith.constant 0 : i32
      %dma_wait3A_139 = tpu.memref_slice %arg10[%dma_wait3A_137, %dma_wait3A_138] : memref<10112x128xf32, #tpu.memory_space<vmem_shared>> -> memref<10112x128xf32, #tpu.memory_space<vmem_shared>>
      tpu.wait_indirect_dma semaphore(%arg14 : memref<!tpu.dma_semaphore, #tpu.memory_space<semaphore_mem>>) src(%dma_wait3A_133 : memref<128x128xf32, #tpu.memory_space<vmem>>) dst(%dma_wait3A_139 : memref<10112x128xf32, #tpu.memory_space<vmem_shared>>)
      %add3A_140 = arith.constant 1 : i32
      %add3A_141 = arith.addi %add3A_127, %add3A_140 : i32
      %lt3A_142 = arith.constant 80 : i32
      %lt3A_143 = arith.cmpi slt, %add3A_141, %lt3A_142 : i32
      %convert_element_type3A_144 = arith.extui %lt3A_143 : i1 to i32
      %cond3A_145 = arith.constant 0 : i32
      %cond3A_146 = arith.cmpi ne, %convert_element_type3A_144, %cond3A_145 : i32
      scf.if %cond3A_146 {
        %add3A_814 = arith.constant 1 : i32
        %add3A_815 = arith.addi %add3A_127, %add3A_814 : i32
        %dma_start3A_816 = arith.constant 1 : i32
        %dma_start3A_817 = arith.constant 0 : i32
        %dma_start3A_818 = arith.constant 0 : i32
        %dma_start3A_819 = tpu.memref_slice %arg9[%dma_start3A_816, %dma_start3A_817, %dma_start3A_818] : memref<2x128x128xf32, #tpu.memory_space<vmem>> -> memref<1x128x128xf32, #tpu.memory_space<vmem>>
        %dma_start3A_820 = tpu.memref_squeeze %dma_start3A_819 : memref<1x128x128xf32, #tpu.memory_space<vmem>> -> memref<128x128xf32, #tpu.memory_space<vmem>>
        %dma_start3A_821 = arith.constant 0 : i32
        %dma_start3A_822 = tpu.memref_slice %arg7[%add3A_815, %dma_start3A_821] : memref<80x128xi32, #tpu.memory_space<vmem>> -> memref<1x128xi32, #tpu.memory_space<vmem>>
        %dma_start3A_823 = tpu.memref_squeeze %dma_start3A_822 : memref<1x128xi32, #tpu.memory_space<vmem>> -> memref<128xi32, #tpu.memory_space<vmem>>
        %dma_start3A_824 = arith.constant 0 : i32
        %dma_start3A_825 = arith.constant 0 : i32
        %dma_start3A_826 = tpu.memref_slice %arg4[%arg0, %dma_start3A_824, %dma_start3A_825] : memref<2x10000x128xf32, #tpu.memory_space<hbm>> -> memref<1x10000x128xf32, #tpu.memory_space<hbm>>
        %dma_start3A_827 = tpu.memref_squeeze %dma_start3A_826 : memref<1x10000x128xf32, #tpu.memory_space<hbm>> -> memref<10000x128xf32, #tpu.memory_space<hbm>>
        %dma_start3A_828 = arith.constant 0 : i32
        %dma_start3A_829 = arith.constant 0 : i32
        %dma_start3A_830 = tpu.memref_slice %dma_start3A_827[%dma_start3A_828, %dma_start3A_829] : memref<10000x128xf32, #tpu.memory_space<hbm>> -> memref<10000x128xf32, #tpu.memory_space<hbm>>
        tpu.enqueue_indirect_dma source(%dma_start3A_830 : memref<10000x128xf32, #tpu.memory_space<hbm>>) target(%dma_start3A_820 : memref<128x128xf32, #tpu.memory_space<vmem>>) offsets(%dma_start3A_823 : memref<128xi32, #tpu.memory_space<vmem>>) semaphore(%arg12 : memref<!tpu.dma_semaphore, #tpu.memory_space<semaphore_mem>>)
      } else {
      }
      %dma_wait3A_147 = arith.constant 0 : i32
      %dma_wait3A_148 = arith.constant 0 : i32
      %dma_wait3A_149 = arith.constant 0 : i32
      %dma_wait3A_150 = tpu.memref_slice %arg9[%dma_wait3A_147, %dma_wait3A_148, %dma_wait3A_149] : memref<2x128x128xf32, #tpu.memory_space<vmem>> -> memref<1x128x128xf32, #tpu.memory_space<vmem>>
      %dma_wait3A_151 = tpu.memref_squeeze %dma_wait3A_150 : memref<1x128x128xf32, #tpu.memory_space<vmem>> -> memref<128x128xf32, #tpu.memory_space<vmem>>
      %dma_wait3A_152 = arith.constant 0 : i32
      %dma_wait3A_153 = tpu.memref_slice %arg7[%add3A_127, %dma_wait3A_152] : memref<80x128xi32, #tpu.memory_space<vmem>> -> memref<1x128xi32, #tpu.memory_space<vmem>>
      %dma_wait3A_154 = tpu.memref_squeeze %dma_wait3A_153 : memref<1x128xi32, #tpu.memory_space<vmem>> -> memref<128xi32, #tpu.memory_space<vmem>>
      %dma_wait3A_155 = arith.constant 0 : i32
      %dma_wait3A_156 = arith.constant 0 : i32
      %dma_wait3A_157 = tpu.memref_slice %arg4[%arg0, %dma_wait3A_155, %dma_wait3A_156] : memref<2x10000x128xf32, #tpu.memory_space<hbm>> -> memref<1x10000x128xf32, #tpu.memory_space<hbm>>
      %dma_wait3A_158 = tpu.memref_squeeze %dma_wait3A_157 : memref<1x10000x128xf32, #tpu.memory_space<hbm>> -> memref<10000x128xf32, #tpu.memory_space<hbm>>
      %dma_wait3A_159 = arith.constant 0 : i32
      %dma_wait3A_160 = arith.constant 0 : i32
      %dma_wait3A_161 = tpu.memref_slice %dma_wait3A_158[%dma_wait3A_159, %dma_wait3A_160] : memref<10000x128xf32, #tpu.memory_space<hbm>> -> memref<10000x128xf32, #tpu.memory_space<hbm>>
      tpu.wait_indirect_dma semaphore(%arg11 : memref<!tpu.dma_semaphore, #tpu.memory_space<semaphore_mem>>) src(%dma_wait3A_161 : memref<10000x128xf32, #tpu.memory_space<hbm>>) dst(%dma_wait3A_151 : memref<128x128xf32, #tpu.memory_space<vmem>>)
      %dma_start3A_162 = arith.constant 0 : i32
      %dma_start3A_163 = arith.constant 2 : i32
      %dma_start3A_164 = arith.constant 0 : i32
      %dma_start3A_165 = arith.constant 0 : i32
      %dma_start3A_166 = tpu.memref_slice %arg9[%dma_start3A_162, %dma_start3A_164, %dma_start3A_165] : memref<2x128x128xf32, #tpu.memory_space<vmem>> -> memref<1x128x128xf32, #tpu.memory_space<vmem>>
      %dma_start3A_167 = tpu.memref_squeeze %dma_start3A_166 : memref<1x128x128xf32, #tpu.memory_space<vmem>> -> memref<128x128xf32, #tpu.memory_space<vmem>>
      %dma_start3A_168 = arith.constant 0 : i32
      %dma_start3A_169 = tpu.memref_slice %arg8[%rem3A_29, %dma_start3A_163, %dma_start3A_168] : memref<2x16x128xi32, #tpu.memory_space<vmem>> -> memref<1x1x128xi32, #tpu.memory_space<vmem>>
      %dma_start3A_170 = tpu.memref_squeeze %dma_start3A_169 : memref<1x1x128xi32, #tpu.memory_space<vmem>> -> memref<128xi32, #tpu.memory_space<vmem>>
      %dma_start3A_171 = arith.constant 0 : i32
      %dma_start3A_172 = arith.constant 0 : i32
      %dma_start3A_173 = tpu.memref_slice %arg10[%dma_start3A_171, %dma_start3A_172] : memref<10112x128xf32, #tpu.memory_space<vmem_shared>> -> memref<10112x128xf32, #tpu.memory_space<vmem_shared>>
      tpu.enqueue_indirect_dma source(%dma_start3A_167 : memref<128x128xf32, #tpu.memory_space<vmem>>) target(%dma_start3A_173 : memref<10112x128xf32, #tpu.memory_space<vmem_shared>>) offsets(%dma_start3A_170 : memref<128xi32, #tpu.memory_space<vmem>>) semaphore(%arg13 : memref<!tpu.dma_semaphore, #tpu.memory_space<semaphore_mem>>) {add = true}
      %mul3A_174 = arith.constant 16 : i32
      %mul3A_175 = arith.muli %scan3A_28, %mul3A_174 : i32
      %add3A_176 = arith.constant 3 : i32
      %add3A_177 = arith.addi %mul3A_175, %add3A_176 : i32
      %dma_wait3A_178 = arith.constant 0 : i32
      %dma_wait3A_179 = arith.constant 2 : i32
      %dma_wait3A_180 = arith.constant 0 : i32
      %dma_wait3A_181 = arith.constant 0 : i32
      %dma_wait3A_182 = tpu.memref_slice %arg9[%dma_wait3A_178, %dma_wait3A_180, %dma_wait3A_181] : memref<2x128x128xf32, #tpu.memory_space<vmem>> -> memref<1x128x128xf32, #tpu.memory_space<vmem>>
      %dma_wait3A_183 = tpu.memref_squeeze %dma_wait3A_182 : memref<1x128x128xf32, #tpu.memory_space<vmem>> -> memref<128x128xf32, #tpu.memory_space<vmem>>
      %dma_wait3A_184 = arith.constant 0 : i32
      %dma_wait3A_185 = tpu.memref_slice %arg8[%rem3A_29, %dma_wait3A_179, %dma_wait3A_184] : memref<2x16x128xi32, #tpu.memory_space<vmem>> -> memref<1x1x128xi32, #tpu.memory_space<vmem>>
      %dma_wait3A_186 = tpu.memref_squeeze %dma_wait3A_185 : memref<1x1x128xi32, #tpu.memory_space<vmem>> -> memref<128xi32, #tpu.memory_space<vmem>>
      %dma_wait3A_187 = arith.constant 0 : i32
      %dma_wait3A_188 = arith.constant 0 : i32
      %dma_wait3A_189 = tpu.memref_slice %arg10[%dma_wait3A_187, %dma_wait3A_188] : memref<10112x128xf32, #tpu.memory_space<vmem_shared>> -> memref<10112x128xf32, #tpu.memory_space<vmem_shared>>
      tpu.wait_indirect_dma semaphore(%arg13 : memref<!tpu.dma_semaphore, #tpu.memory_space<semaphore_mem>>) src(%dma_wait3A_183 : memref<128x128xf32, #tpu.memory_space<vmem>>) dst(%dma_wait3A_189 : memref<10112x128xf32, #tpu.memory_space<vmem_shared>>)
      %add3A_190 = arith.constant 1 : i32
      %add3A_191 = arith.addi %add3A_177, %add3A_190 : i32
      %lt3A_192 = arith.constant 80 : i32
      %lt3A_193 = arith.cmpi slt, %add3A_191, %lt3A_192 : i32
      %convert_element_type3A_194 = arith.extui %lt3A_193 : i1 to i32
      %cond3A_195 = arith.constant 0 : i32
      %cond3A_196 = arith.cmpi ne, %convert_element_type3A_194, %cond3A_195 : i32
      scf.if %cond3A_196 {
        %add3A_814 = arith.constant 1 : i32
        %add3A_815 = arith.addi %add3A_177, %add3A_814 : i32
        %dma_start3A_816 = arith.constant 0 : i32
        %dma_start3A_817 = arith.constant 0 : i32
        %dma_start3A_818 = arith.constant 0 : i32
        %dma_start3A_819 = tpu.memref_slice %arg9[%dma_start3A_816, %dma_start3A_817, %dma_start3A_818] : memref<2x128x128xf32, #tpu.memory_space<vmem>> -> memref<1x128x128xf32, #tpu.memory_space<vmem>>
        %dma_start3A_820 = tpu.memref_squeeze %dma_start3A_819 : memref<1x128x128xf32, #tpu.memory_space<vmem>> -> memref<128x128xf32, #tpu.memory_space<vmem>>
        %dma_start3A_821 = arith.constant 0 : i32
        %dma_start3A_822 = tpu.memref_slice %arg7[%add3A_815, %dma_start3A_821] : memref<80x128xi32, #tpu.memory_space<vmem>> -> memref<1x128xi32, #tpu.memory_space<vmem>>
        %dma_start3A_823 = tpu.memref_squeeze %dma_start3A_822 : memref<1x128xi32, #tpu.memory_space<vmem>> -> memref<128xi32, #tpu.memory_space<vmem>>
        %dma_start3A_824 = arith.constant 0 : i32
        %dma_start3A_825 = arith.constant 0 : i32
        %dma_start3A_826 = tpu.memref_slice %arg4[%arg0, %dma_start3A_824, %dma_start3A_825] : memref<2x10000x128xf32, #tpu.memory_space<hbm>> -> memref<1x10000x128xf32, #tpu.memory_space<hbm>>
        %dma_start3A_827 = tpu.memref_squeeze %dma_start3A_826 : memref<1x10000x128xf32, #tpu.memory_space<hbm>> -> memref<10000x128xf32, #tpu.memory_space<hbm>>
        %dma_start3A_828 = arith.constant 0 : i32
        %dma_start3A_829 = arith.constant 0 : i32
        %dma_start3A_830 = tpu.memref_slice %dma_start3A_827[%dma_start3A_828, %dma_start3A_829] : memref<10000x128xf32, #tpu.memory_space<hbm>> -> memref<10000x128xf32, #tpu.memory_space<hbm>>
        tpu.enqueue_indirect_dma source(%dma_start3A_830 : memref<10000x128xf32, #tpu.memory_space<hbm>>) target(%dma_start3A_820 : memref<128x128xf32, #tpu.memory_space<vmem>>) offsets(%dma_start3A_823 : memref<128xi32, #tpu.memory_space<vmem>>) semaphore(%arg11 : memref<!tpu.dma_semaphore, #tpu.memory_space<semaphore_mem>>)
      } else {
      }
      %dma_wait3A_197 = arith.constant 1 : i32
      %dma_wait3A_198 = arith.constant 0 : i32
      %dma_wait3A_199 = arith.constant 0 : i32
      %dma_wait3A_200 = tpu.memref_slice %arg9[%dma_wait3A_197, %dma_wait3A_198, %dma_wait3A_199] : memref<2x128x128xf32, #tpu.memory_space<vmem>> -> memref<1x128x128xf32, #tpu.memory_space<vmem>>
      %dma_wait3A_201 = tpu.memref_squeeze %dma_wait3A_200 : memref<1x128x128xf32, #tpu.memory_space<vmem>> -> memref<128x128xf32, #tpu.memory_space<vmem>>
      %dma_wait3A_202 = arith.constant 0 : i32
      %dma_wait3A_203 = tpu.memref_slice %arg7[%add3A_177, %dma_wait3A_202] : memref<80x128xi32, #tpu.memory_space<vmem>> -> memref<1x128xi32, #tpu.memory_space<vmem>>
      %dma_wait3A_204 = tpu.memref_squeeze %dma_wait3A_203 : memref<1x128xi32, #tpu.memory_space<vmem>> -> memref<128xi32, #tpu.memory_space<vmem>>
      %dma_wait3A_205 = arith.constant 0 : i32
      %dma_wait3A_206 = arith.constant 0 : i32
      %dma_wait3A_207 = tpu.memref_slice %arg4[%arg0, %dma_wait3A_205, %dma_wait3A_206] : memref<2x10000x128xf32, #tpu.memory_space<hbm>> -> memref<1x10000x128xf32, #tpu.memory_space<hbm>>
      %dma_wait3A_208 = tpu.memref_squeeze %dma_wait3A_207 : memref<1x10000x128xf32, #tpu.memory_space<hbm>> -> memref<10000x128xf32, #tpu.memory_space<hbm>>
      %dma_wait3A_209 = arith.constant 0 : i32
      %dma_wait3A_210 = arith.constant 0 : i32
      %dma_wait3A_211 = tpu.memref_slice %dma_wait3A_208[%dma_wait3A_209, %dma_wait3A_210] : memref<10000x128xf32, #tpu.memory_space<hbm>> -> memref<10000x128xf32, #tpu.memory_space<hbm>>
      tpu.wait_indirect_dma semaphore(%arg12 : memref<!tpu.dma_semaphore, #tpu.memory_space<semaphore_mem>>) src(%dma_wait3A_211 : memref<10000x128xf32, #tpu.memory_space<hbm>>) dst(%dma_wait3A_201 : memref<128x128xf32, #tpu.memory_space<vmem>>)
      %dma_start3A_212 = arith.constant 1 : i32
      %dma_start3A_213 = arith.constant 3 : i32
      %dma_start3A_214 = arith.constant 0 : i32
      %dma_start3A_215 = arith.constant 0 : i32
      %dma_start3A_216 = tpu.memref_slice %arg9[%dma_start3A_212, %dma_start3A_214, %dma_start3A_215] : memref<2x128x128xf32, #tpu.memory_space<vmem>> -> memref<1x128x128xf32, #tpu.memory_space<vmem>>
      %dma_start3A_217 = tpu.memref_squeeze %dma_start3A_216 : memref<1x128x128xf32, #tpu.memory_space<vmem>> -> memref<128x128xf32, #tpu.memory_space<vmem>>
      %dma_start3A_218 = arith.constant 0 : i32
      %dma_start3A_219 = tpu.memref_slice %arg8[%rem3A_29, %dma_start3A_213, %dma_start3A_218] : memref<2x16x128xi32, #tpu.memory_space<vmem>> -> memref<1x1x128xi32, #tpu.memory_space<vmem>>
      %dma_start3A_220 = tpu.memref_squeeze %dma_start3A_219 : memref<1x1x128xi32, #tpu.memory_space<vmem>> -> memref<128xi32, #tpu.memory_space<vmem>>
      %dma_start3A_221 = arith.constant 0 : i32
      %dma_start3A_222 = arith.constant 0 : i32
      %dma_start3A_223 = tpu.memref_slice %arg10[%dma_start3A_221, %dma_start3A_222] : memref<10112x128xf32, #tpu.memory_space<vmem_shared>> -> memref<10112x128xf32, #tpu.memory_space<vmem_shared>>
      tpu.enqueue_indirect_dma source(%dma_start3A_217 : memref<128x128xf32, #tpu.memory_space<vmem>>) target(%dma_start3A_223 : memref<10112x128xf32, #tpu.memory_space<vmem_shared>>) offsets(%dma_start3A_220 : memref<128xi32, #tpu.memory_space<vmem>>) semaphore(%arg14 : memref<!tpu.dma_semaphore, #tpu.memory_space<semaphore_mem>>) {add = true}
      %mul3A_224 = arith.constant 16 : i32
      %mul3A_225 = arith.muli %scan3A_28, %mul3A_224 : i32
      %add3A_226 = arith.constant 4 : i32
      %add3A_227 = arith.addi %mul3A_225, %add3A_226 : i32
      %dma_wait3A_228 = arith.constant 1 : i32
      %dma_wait3A_229 = arith.constant 3 : i32
      %dma_wait3A_230 = arith.constant 0 : i32
      %dma_wait3A_231 = arith.constant 0 : i32
      %dma_wait3A_232 = tpu.memref_slice %arg9[%dma_wait3A_228, %dma_wait3A_230, %dma_wait3A_231] : memref<2x128x128xf32, #tpu.memory_space<vmem>> -> memref<1x128x128xf32, #tpu.memory_space<vmem>>
      %dma_wait3A_233 = tpu.memref_squeeze %dma_wait3A_232 : memref<1x128x128xf32, #tpu.memory_space<vmem>> -> memref<128x128xf32, #tpu.memory_space<vmem>>
      %dma_wait3A_234 = arith.constant 0 : i32
      %dma_wait3A_235 = tpu.memref_slice %arg8[%rem3A_29, %dma_wait3A_229, %dma_wait3A_234] : memref<2x16x128xi32, #tpu.memory_space<vmem>> -> memref<1x1x128xi32, #tpu.memory_space<vmem>>
      %dma_wait3A_236 = tpu.memref_squeeze %dma_wait3A_235 : memref<1x1x128xi32, #tpu.memory_space<vmem>> -> memref<128xi32, #tpu.memory_space<vmem>>
      %dma_wait3A_237 = arith.constant 0 : i32
      %dma_wait3A_238 = arith.constant 0 : i32
      %dma_wait3A_239 = tpu.memref_slice %arg10[%dma_wait3A_237, %dma_wait3A_238] : memref<10112x128xf32, #tpu.memory_space<vmem_shared>> -> memref<10112x128xf32, #tpu.memory_space<vmem_shared>>
      tpu.wait_indirect_dma semaphore(%arg14 : memref<!tpu.dma_semaphore, #tpu.memory_space<semaphore_mem>>) src(%dma_wait3A_233 : memref<128x128xf32, #tpu.memory_space<vmem>>) dst(%dma_wait3A_239 : memref<10112x128xf32, #tpu.memory_space<vmem_shared>>)
      %add3A_240 = arith.constant 1 : i32
      %add3A_241 = arith.addi %add3A_227, %add3A_240 : i32
      %lt3A_242 = arith.constant 80 : i32
      %lt3A_243 = arith.cmpi slt, %add3A_241, %lt3A_242 : i32
      %convert_element_type3A_244 = arith.extui %lt3A_243 : i1 to i32
      %cond3A_245 = arith.constant 0 : i32
      %cond3A_246 = arith.cmpi ne, %convert_element_type3A_244, %cond3A_245 : i32
      scf.if %cond3A_246 {
        %add3A_814 = arith.constant 1 : i32
        %add3A_815 = arith.addi %add3A_227, %add3A_814 : i32
        %dma_start3A_816 = arith.constant 1 : i32
        %dma_start3A_817 = arith.constant 0 : i32
        %dma_start3A_818 = arith.constant 0 : i32
        %dma_start3A_819 = tpu.memref_slice %arg9[%dma_start3A_816, %dma_start3A_817, %dma_start3A_818] : memref<2x128x128xf32, #tpu.memory_space<vmem>> -> memref<1x128x128xf32, #tpu.memory_space<vmem>>
        %dma_start3A_820 = tpu.memref_squeeze %dma_start3A_819 : memref<1x128x128xf32, #tpu.memory_space<vmem>> -> memref<128x128xf32, #tpu.memory_space<vmem>>
        %dma_start3A_821 = arith.constant 0 : i32
        %dma_start3A_822 = tpu.memref_slice %arg7[%add3A_815, %dma_start3A_821] : memref<80x128xi32, #tpu.memory_space<vmem>> -> memref<1x128xi32, #tpu.memory_space<vmem>>
        %dma_start3A_823 = tpu.memref_squeeze %dma_start3A_822 : memref<1x128xi32, #tpu.memory_space<vmem>> -> memref<128xi32, #tpu.memory_space<vmem>>
        %dma_start3A_824 = arith.constant 0 : i32
        %dma_start3A_825 = arith.constant 0 : i32
        %dma_start3A_826 = tpu.memref_slice %arg4[%arg0, %dma_start3A_824, %dma_start3A_825] : memref<2x10000x128xf32, #tpu.memory_space<hbm>> -> memref<1x10000x128xf32, #tpu.memory_space<hbm>>
        %dma_start3A_827 = tpu.memref_squeeze %dma_start3A_826 : memref<1x10000x128xf32, #tpu.memory_space<hbm>> -> memref<10000x128xf32, #tpu.memory_space<hbm>>
        %dma_start3A_828 = arith.constant 0 : i32
        %dma_start3A_829 = arith.constant 0 : i32
        %dma_start3A_830 = tpu.memref_slice %dma_start3A_827[%dma_start3A_828, %dma_start3A_829] : memref<10000x128xf32, #tpu.memory_space<hbm>> -> memref<10000x128xf32, #tpu.memory_space<hbm>>
        tpu.enqueue_indirect_dma source(%dma_start3A_830 : memref<10000x128xf32, #tpu.memory_space<hbm>>) target(%dma_start3A_820 : memref<128x128xf32, #tpu.memory_space<vmem>>) offsets(%dma_start3A_823 : memref<128xi32, #tpu.memory_space<vmem>>) semaphore(%arg12 : memref<!tpu.dma_semaphore, #tpu.memory_space<semaphore_mem>>)
      } else {
      }
      %dma_wait3A_247 = arith.constant 0 : i32
      %dma_wait3A_248 = arith.constant 0 : i32
      %dma_wait3A_249 = arith.constant 0 : i32
      %dma_wait3A_250 = tpu.memref_slice %arg9[%dma_wait3A_247, %dma_wait3A_248, %dma_wait3A_249] : memref<2x128x128xf32, #tpu.memory_space<vmem>> -> memref<1x128x128xf32, #tpu.memory_space<vmem>>
      %dma_wait3A_251 = tpu.memref_squeeze %dma_wait3A_250 : memref<1x128x128xf32, #tpu.memory_space<vmem>> -> memref<128x128xf32, #tpu.memory_space<vmem>>
      %dma_wait3A_252 = arith.constant 0 : i32
      %dma_wait3A_253 = tpu.memref_slice %arg7[%add3A_227, %dma_wait3A_252] : memref<80x128xi32, #tpu.memory_space<vmem>> -> memref<1x128xi32, #tpu.memory_space<vmem>>
      %dma_wait3A_254 = tpu.memref_squeeze %dma_wait3A_253 : memref<1x128xi32, #tpu.memory_space<vmem>> -> memref<128xi32, #tpu.memory_space<vmem>>
      %dma_wait3A_255 = arith.constant 0 : i32
      %dma_wait3A_256 = arith.constant 0 : i32
      %dma_wait3A_257 = tpu.memref_slice %arg4[%arg0, %dma_wait3A_255, %dma_wait3A_256] : memref<2x10000x128xf32, #tpu.memory_space<hbm>> -> memref<1x10000x128xf32, #tpu.memory_space<hbm>>
      %dma_wait3A_258 = tpu.memref_squeeze %dma_wait3A_257 : memref<1x10000x128xf32, #tpu.memory_space<hbm>> -> memref<10000x128xf32, #tpu.memory_space<hbm>>
      %dma_wait3A_259 = arith.constant 0 : i32
      %dma_wait3A_260 = arith.constant 0 : i32
      %dma_wait3A_261 = tpu.memref_slice %dma_wait3A_258[%dma_wait3A_259, %dma_wait3A_260] : memref<10000x128xf32, #tpu.memory_space<hbm>> -> memref<10000x128xf32, #tpu.memory_space<hbm>>
      tpu.wait_indirect_dma semaphore(%arg11 : memref<!tpu.dma_semaphore, #tpu.memory_space<semaphore_mem>>) src(%dma_wait3A_261 : memref<10000x128xf32, #tpu.memory_space<hbm>>) dst(%dma_wait3A_251 : memref<128x128xf32, #tpu.memory_space<vmem>>)
      %dma_start3A_262 = arith.constant 0 : i32
      %dma_start3A_263 = arith.constant 4 : i32
      %dma_start3A_264 = arith.constant 0 : i32
      %dma_start3A_265 = arith.constant 0 : i32
      %dma_start3A_266 = tpu.memref_slice %arg9[%dma_start3A_262, %dma_start3A_264, %dma_start3A_265] : memref<2x128x128xf32, #tpu.memory_space<vmem>> -> memref<1x128x128xf32, #tpu.memory_space<vmem>>
      %dma_start3A_267 = tpu.memref_squeeze %dma_start3A_266 : memref<1x128x128xf32, #tpu.memory_space<vmem>> -> memref<128x128xf32, #tpu.memory_space<vmem>>
      %dma_start3A_268 = arith.constant 0 : i32
      %dma_start3A_269 = tpu.memref_slice %arg8[%rem3A_29, %dma_start3A_263, %dma_start3A_268] : memref<2x16x128xi32, #tpu.memory_space<vmem>> -> memref<1x1x128xi32, #tpu.memory_space<vmem>>
      %dma_start3A_270 = tpu.memref_squeeze %dma_start3A_269 : memref<1x1x128xi32, #tpu.memory_space<vmem>> -> memref<128xi32, #tpu.memory_space<vmem>>
      %dma_start3A_271 = arith.constant 0 : i32
      %dma_start3A_272 = arith.constant 0 : i32
      %dma_start3A_273 = tpu.memref_slice %arg10[%dma_start3A_271, %dma_start3A_272] : memref<10112x128xf32, #tpu.memory_space<vmem_shared>> -> memref<10112x128xf32, #tpu.memory_space<vmem_shared>>
      tpu.enqueue_indirect_dma source(%dma_start3A_267 : memref<128x128xf32, #tpu.memory_space<vmem>>) target(%dma_start3A_273 : memref<10112x128xf32, #tpu.memory_space<vmem_shared>>) offsets(%dma_start3A_270 : memref<128xi32, #tpu.memory_space<vmem>>) semaphore(%arg13 : memref<!tpu.dma_semaphore, #tpu.memory_space<semaphore_mem>>) {add = true}
      %mul3A_274 = arith.constant 16 : i32
      %mul3A_275 = arith.muli %scan3A_28, %mul3A_274 : i32
      %add3A_276 = arith.constant 5 : i32
      %add3A_277 = arith.addi %mul3A_275, %add3A_276 : i32
      %dma_wait3A_278 = arith.constant 0 : i32
      %dma_wait3A_279 = arith.constant 4 : i32
      %dma_wait3A_280 = arith.constant 0 : i32
      %dma_wait3A_281 = arith.constant 0 : i32
      %dma_wait3A_282 = tpu.memref_slice %arg9[%dma_wait3A_278, %dma_wait3A_280, %dma_wait3A_281] : memref<2x128x128xf32, #tpu.memory_space<vmem>> -> memref<1x128x128xf32, #tpu.memory_space<vmem>>
      %dma_wait3A_283 = tpu.memref_squeeze %dma_wait3A_282 : memref<1x128x128xf32, #tpu.memory_space<vmem>> -> memref<128x128xf32, #tpu.memory_space<vmem>>
      %dma_wait3A_284 = arith.constant 0 : i32
      %dma_wait3A_285 = tpu.memref_slice %arg8[%rem3A_29, %dma_wait3A_279, %dma_wait3A_284] : memref<2x16x128xi32, #tpu.memory_space<vmem>> -> memref<1x1x128xi32, #tpu.memory_space<vmem>>
      %dma_wait3A_286 = tpu.memref_squeeze %dma_wait3A_285 : memref<1x1x128xi32, #tpu.memory_space<vmem>> -> memref<128xi32, #tpu.memory_space<vmem>>
      %dma_wait3A_287 = arith.constant 0 : i32
      %dma_wait3A_288 = arith.constant 0 : i32
      %dma_wait3A_289 = tpu.memref_slice %arg10[%dma_wait3A_287, %dma_wait3A_288] : memref<10112x128xf32, #tpu.memory_space<vmem_shared>> -> memref<10112x128xf32, #tpu.memory_space<vmem_shared>>
      tpu.wait_indirect_dma semaphore(%arg13 : memref<!tpu.dma_semaphore, #tpu.memory_space<semaphore_mem>>) src(%dma_wait3A_283 : memref<128x128xf32, #tpu.memory_space<vmem>>) dst(%dma_wait3A_289 : memref<10112x128xf32, #tpu.memory_space<vmem_shared>>)
      %add3A_290 = arith.constant 1 : i32
      %add3A_291 = arith.addi %add3A_277, %add3A_290 : i32
      %lt3A_292 = arith.constant 80 : i32
      %lt3A_293 = arith.cmpi slt, %add3A_291, %lt3A_292 : i32
      %convert_element_type3A_294 = arith.extui %lt3A_293 : i1 to i32
      %cond3A_295 = arith.constant 0 : i32
      %cond3A_296 = arith.cmpi ne, %convert_element_type3A_294, %cond3A_295 : i32
      scf.if %cond3A_296 {
        %add3A_814 = arith.constant 1 : i32
        %add3A_815 = arith.addi %add3A_277, %add3A_814 : i32
        %dma_start3A_816 = arith.constant 0 : i32
        %dma_start3A_817 = arith.constant 0 : i32
        %dma_start3A_818 = arith.constant 0 : i32
        %dma_start3A_819 = tpu.memref_slice %arg9[%dma_start3A_816, %dma_start3A_817, %dma_start3A_818] : memref<2x128x128xf32, #tpu.memory_space<vmem>> -> memref<1x128x128xf32, #tpu.memory_space<vmem>>
        %dma_start3A_820 = tpu.memref_squeeze %dma_start3A_819 : memref<1x128x128xf32, #tpu.memory_space<vmem>> -> memref<128x128xf32, #tpu.memory_space<vmem>>
        %dma_start3A_821 = arith.constant 0 : i32
        %dma_start3A_822 = tpu.memref_slice %arg7[%add3A_815, %dma_start3A_821] : memref<80x128xi32, #tpu.memory_space<vmem>> -> memref<1x128xi32, #tpu.memory_space<vmem>>
        %dma_start3A_823 = tpu.memref_squeeze %dma_start3A_822 : memref<1x128xi32, #tpu.memory_space<vmem>> -> memref<128xi32, #tpu.memory_space<vmem>>
        %dma_start3A_824 = arith.constant 0 : i32
        %dma_start3A_825 = arith.constant 0 : i32
        %dma_start3A_826 = tpu.memref_slice %arg4[%arg0, %dma_start3A_824, %dma_start3A_825] : memref<2x10000x128xf32, #tpu.memory_space<hbm>> -> memref<1x10000x128xf32, #tpu.memory_space<hbm>>
        %dma_start3A_827 = tpu.memref_squeeze %dma_start3A_826 : memref<1x10000x128xf32, #tpu.memory_space<hbm>> -> memref<10000x128xf32, #tpu.memory_space<hbm>>
        %dma_start3A_828 = arith.constant 0 : i32
        %dma_start3A_829 = arith.constant 0 : i32
        %dma_start3A_830 = tpu.memref_slice %dma_start3A_827[%dma_start3A_828, %dma_start3A_829] : memref<10000x128xf32, #tpu.memory_space<hbm>> -> memref<10000x128xf32, #tpu.memory_space<hbm>>
        tpu.enqueue_indirect_dma source(%dma_start3A_830 : memref<10000x128xf32, #tpu.memory_space<hbm>>) target(%dma_start3A_820 : memref<128x128xf32, #tpu.memory_space<vmem>>) offsets(%dma_start3A_823 : memref<128xi32, #tpu.memory_space<vmem>>) semaphore(%arg11 : memref<!tpu.dma_semaphore, #tpu.memory_space<semaphore_mem>>)
      } else {
      }
      %dma_wait3A_297 = arith.constant 1 : i32
      %dma_wait3A_298 = arith.constant 0 : i32
      %dma_wait3A_299 = arith.constant 0 : i32
      %dma_wait3A_300 = tpu.memref_slice %arg9[%dma_wait3A_297, %dma_wait3A_298, %dma_wait3A_299] : memref<2x128x128xf32, #tpu.memory_space<vmem>> -> memref<1x128x128xf32, #tpu.memory_space<vmem>>
      %dma_wait3A_301 = tpu.memref_squeeze %dma_wait3A_300 : memref<1x128x128xf32, #tpu.memory_space<vmem>> -> memref<128x128xf32, #tpu.memory_space<vmem>>
      %dma_wait3A_302 = arith.constant 0 : i32
      %dma_wait3A_303 = tpu.memref_slice %arg7[%add3A_277, %dma_wait3A_302] : memref<80x128xi32, #tpu.memory_space<vmem>> -> memref<1x128xi32, #tpu.memory_space<vmem>>
      %dma_wait3A_304 = tpu.memref_squeeze %dma_wait3A_303 : memref<1x128xi32, #tpu.memory_space<vmem>> -> memref<128xi32, #tpu.memory_space<vmem>>
      %dma_wait3A_305 = arith.constant 0 : i32
      %dma_wait3A_306 = arith.constant 0 : i32
      %dma_wait3A_307 = tpu.memref_slice %arg4[%arg0, %dma_wait3A_305, %dma_wait3A_306] : memref<2x10000x128xf32, #tpu.memory_space<hbm>> -> memref<1x10000x128xf32, #tpu.memory_space<hbm>>
      %dma_wait3A_308 = tpu.memref_squeeze %dma_wait3A_307 : memref<1x10000x128xf32, #tpu.memory_space<hbm>> -> memref<10000x128xf32, #tpu.memory_space<hbm>>
      %dma_wait3A_309 = arith.constant 0 : i32
      %dma_wait3A_310 = arith.constant 0 : i32
      %dma_wait3A_311 = tpu.memref_slice %dma_wait3A_308[%dma_wait3A_309, %dma_wait3A_310] : memref<10000x128xf32, #tpu.memory_space<hbm>> -> memref<10000x128xf32, #tpu.memory_space<hbm>>
      tpu.wait_indirect_dma semaphore(%arg12 : memref<!tpu.dma_semaphore, #tpu.memory_space<semaphore_mem>>) src(%dma_wait3A_311 : memref<10000x128xf32, #tpu.memory_space<hbm>>) dst(%dma_wait3A_301 : memref<128x128xf32, #tpu.memory_space<vmem>>)
      %dma_start3A_312 = arith.constant 1 : i32
      %dma_start3A_313 = arith.constant 5 : i32
      %dma_start3A_314 = arith.constant 0 : i32
      %dma_start3A_315 = arith.constant 0 : i32
      %dma_start3A_316 = tpu.memref_slice %arg9[%dma_start3A_312, %dma_start3A_314, %dma_start3A_315] : memref<2x128x128xf32, #tpu.memory_space<vmem>> -> memref<1x128x128xf32, #tpu.memory_space<vmem>>
      %dma_start3A_317 = tpu.memref_squeeze %dma_start3A_316 : memref<1x128x128xf32, #tpu.memory_space<vmem>> -> memref<128x128xf32, #tpu.memory_space<vmem>>
      %dma_start3A_318 = arith.constant 0 : i32
      %dma_start3A_319 = tpu.memref_slice %arg8[%rem3A_29, %dma_start3A_313, %dma_start3A_318] : memref<2x16x128xi32, #tpu.memory_space<vmem>> -> memref<1x1x128xi32, #tpu.memory_space<vmem>>
      %dma_start3A_320 = tpu.memref_squeeze %dma_start3A_319 : memref<1x1x128xi32, #tpu.memory_space<vmem>> -> memref<128xi32, #tpu.memory_space<vmem>>
      %dma_start3A_321 = arith.constant 0 : i32
      %dma_start3A_322 = arith.constant 0 : i32
      %dma_start3A_323 = tpu.memref_slice %arg10[%dma_start3A_321, %dma_start3A_322] : memref<10112x128xf32, #tpu.memory_space<vmem_shared>> -> memref<10112x128xf32, #tpu.memory_space<vmem_shared>>
      tpu.enqueue_indirect_dma source(%dma_start3A_317 : memref<128x128xf32, #tpu.memory_space<vmem>>) target(%dma_start3A_323 : memref<10112x128xf32, #tpu.memory_space<vmem_shared>>) offsets(%dma_start3A_320 : memref<128xi32, #tpu.memory_space<vmem>>) semaphore(%arg14 : memref<!tpu.dma_semaphore, #tpu.memory_space<semaphore_mem>>) {add = true}
      %mul3A_324 = arith.constant 16 : i32
      %mul3A_325 = arith.muli %scan3A_28, %mul3A_324 : i32
      %add3A_326 = arith.constant 6 : i32
      %add3A_327 = arith.addi %mul3A_325, %add3A_326 : i32
      %dma_wait3A_328 = arith.constant 1 : i32
      %dma_wait3A_329 = arith.constant 5 : i32
      %dma_wait3A_330 = arith.constant 0 : i32
      %dma_wait3A_331 = arith.constant 0 : i32
      %dma_wait3A_332 = tpu.memref_slice %arg9[%dma_wait3A_328, %dma_wait3A_330, %dma_wait3A_331] : memref<2x128x128xf32, #tpu.memory_space<vmem>> -> memref<1x128x128xf32, #tpu.memory_space<vmem>>
      %dma_wait3A_333 = tpu.memref_squeeze %dma_wait3A_332 : memref<1x128x128xf32, #tpu.memory_space<vmem>> -> memref<128x128xf32, #tpu.memory_space<vmem>>
      %dma_wait3A_334 = arith.constant 0 : i32
      %dma_wait3A_335 = tpu.memref_slice %arg8[%rem3A_29, %dma_wait3A_329, %dma_wait3A_334] : memref<2x16x128xi32, #tpu.memory_space<vmem>> -> memref<1x1x128xi32, #tpu.memory_space<vmem>>
      %dma_wait3A_336 = tpu.memref_squeeze %dma_wait3A_335 : memref<1x1x128xi32, #tpu.memory_space<vmem>> -> memref<128xi32, #tpu.memory_space<vmem>>
      %dma_wait3A_337 = arith.constant 0 : i32
      %dma_wait3A_338 = arith.constant 0 : i32
      %dma_wait3A_339 = tpu.memref_slice %arg10[%dma_wait3A_337, %dma_wait3A_338] : memref<10112x128xf32, #tpu.memory_space<vmem_shared>> -> memref<10112x128xf32, #tpu.memory_space<vmem_shared>>
      tpu.wait_indirect_dma semaphore(%arg14 : memref<!tpu.dma_semaphore, #tpu.memory_space<semaphore_mem>>) src(%dma_wait3A_333 : memref<128x128xf32, #tpu.memory_space<vmem>>) dst(%dma_wait3A_339 : memref<10112x128xf32, #tpu.memory_space<vmem_shared>>)
      %add3A_340 = arith.constant 1 : i32
      %add3A_341 = arith.addi %add3A_327, %add3A_340 : i32
      %lt3A_342 = arith.constant 80 : i32
      %lt3A_343 = arith.cmpi slt, %add3A_341, %lt3A_342 : i32
      %convert_element_type3A_344 = arith.extui %lt3A_343 : i1 to i32
      %cond3A_345 = arith.constant 0 : i32
      %cond3A_346 = arith.cmpi ne, %convert_element_type3A_344, %cond3A_345 : i32
      scf.if %cond3A_346 {
        %add3A_814 = arith.constant 1 : i32
        %add3A_815 = arith.addi %add3A_327, %add3A_814 : i32
        %dma_start3A_816 = arith.constant 1 : i32
        %dma_start3A_817 = arith.constant 0 : i32
        %dma_start3A_818 = arith.constant 0 : i32
        %dma_start3A_819 = tpu.memref_slice %arg9[%dma_start3A_816, %dma_start3A_817, %dma_start3A_818] : memref<2x128x128xf32, #tpu.memory_space<vmem>> -> memref<1x128x128xf32, #tpu.memory_space<vmem>>
        %dma_start3A_820 = tpu.memref_squeeze %dma_start3A_819 : memref<1x128x128xf32, #tpu.memory_space<vmem>> -> memref<128x128xf32, #tpu.memory_space<vmem>>
        %dma_start3A_821 = arith.constant 0 : i32
        %dma_start3A_822 = tpu.memref_slice %arg7[%add3A_815, %dma_start3A_821] : memref<80x128xi32, #tpu.memory_space<vmem>> -> memref<1x128xi32, #tpu.memory_space<vmem>>
        %dma_start3A_823 = tpu.memref_squeeze %dma_start3A_822 : memref<1x128xi32, #tpu.memory_space<vmem>> -> memref<128xi32, #tpu.memory_space<vmem>>
        %dma_start3A_824 = arith.constant 0 : i32
        %dma_start3A_825 = arith.constant 0 : i32
        %dma_start3A_826 = tpu.memref_slice %arg4[%arg0, %dma_start3A_824, %dma_start3A_825] : memref<2x10000x128xf32, #tpu.memory_space<hbm>> -> memref<1x10000x128xf32, #tpu.memory_space<hbm>>
        %dma_start3A_827 = tpu.memref_squeeze %dma_start3A_826 : memref<1x10000x128xf32, #tpu.memory_space<hbm>> -> memref<10000x128xf32, #tpu.memory_space<hbm>>
        %dma_start3A_828 = arith.constant 0 : i32
        %dma_start3A_829 = arith.constant 0 : i32
        %dma_start3A_830 = tpu.memref_slice %dma_start3A_827[%dma_start3A_828, %dma_start3A_829] : memref<10000x128xf32, #tpu.memory_space<hbm>> -> memref<10000x128xf32, #tpu.memory_space<hbm>>
        tpu.enqueue_indirect_dma source(%dma_start3A_830 : memref<10000x128xf32, #tpu.memory_space<hbm>>) target(%dma_start3A_820 : memref<128x128xf32, #tpu.memory_space<vmem>>) offsets(%dma_start3A_823 : memref<128xi32, #tpu.memory_space<vmem>>) semaphore(%arg12 : memref<!tpu.dma_semaphore, #tpu.memory_space<semaphore_mem>>)
      } else {
      }
      %dma_wait3A_347 = arith.constant 0 : i32
      %dma_wait3A_348 = arith.constant 0 : i32
      %dma_wait3A_349 = arith.constant 0 : i32
      %dma_wait3A_350 = tpu.memref_slice %arg9[%dma_wait3A_347, %dma_wait3A_348, %dma_wait3A_349] : memref<2x128x128xf32, #tpu.memory_space<vmem>> -> memref<1x128x128xf32, #tpu.memory_space<vmem>>
      %dma_wait3A_351 = tpu.memref_squeeze %dma_wait3A_350 : memref<1x128x128xf32, #tpu.memory_space<vmem>> -> memref<128x128xf32, #tpu.memory_space<vmem>>
      %dma_wait3A_352 = arith.constant 0 : i32
      %dma_wait3A_353 = tpu.memref_slice %arg7[%add3A_327, %dma_wait3A_352] : memref<80x128xi32, #tpu.memory_space<vmem>> -> memref<1x128xi32, #tpu.memory_space<vmem>>
      %dma_wait3A_354 = tpu.memref_squeeze %dma_wait3A_353 : memref<1x128xi32, #tpu.memory_space<vmem>> -> memref<128xi32, #tpu.memory_space<vmem>>
      %dma_wait3A_355 = arith.constant 0 : i32
      %dma_wait3A_356 = arith.constant 0 : i32
      %dma_wait3A_357 = tpu.memref_slice %arg4[%arg0, %dma_wait3A_355, %dma_wait3A_356] : memref<2x10000x128xf32, #tpu.memory_space<hbm>> -> memref<1x10000x128xf32, #tpu.memory_space<hbm>>
      %dma_wait3A_358 = tpu.memref_squeeze %dma_wait3A_357 : memref<1x10000x128xf32, #tpu.memory_space<hbm>> -> memref<10000x128xf32, #tpu.memory_space<hbm>>
      %dma_wait3A_359 = arith.constant 0 : i32
      %dma_wait3A_360 = arith.constant 0 : i32
      %dma_wait3A_361 = tpu.memref_slice %dma_wait3A_358[%dma_wait3A_359, %dma_wait3A_360] : memref<10000x128xf32, #tpu.memory_space<hbm>> -> memref<10000x128xf32, #tpu.memory_space<hbm>>
      tpu.wait_indirect_dma semaphore(%arg11 : memref<!tpu.dma_semaphore, #tpu.memory_space<semaphore_mem>>) src(%dma_wait3A_361 : memref<10000x128xf32, #tpu.memory_space<hbm>>) dst(%dma_wait3A_351 : memref<128x128xf32, #tpu.memory_space<vmem>>)
      %dma_start3A_362 = arith.constant 0 : i32
      %dma_start3A_363 = arith.constant 6 : i32
      %dma_start3A_364 = arith.constant 0 : i32
      %dma_start3A_365 = arith.constant 0 : i32
      %dma_start3A_366 = tpu.memref_slice %arg9[%dma_start3A_362, %dma_start3A_364, %dma_start3A_365] : memref<2x128x128xf32, #tpu.memory_space<vmem>> -> memref<1x128x128xf32, #tpu.memory_space<vmem>>
      %dma_start3A_367 = tpu.memref_squeeze %dma_start3A_366 : memref<1x128x128xf32, #tpu.memory_space<vmem>> -> memref<128x128xf32, #tpu.memory_space<vmem>>
      %dma_start3A_368 = arith.constant 0 : i32
      %dma_start3A_369 = tpu.memref_slice %arg8[%rem3A_29, %dma_start3A_363, %dma_start3A_368] : memref<2x16x128xi32, #tpu.memory_space<vmem>> -> memref<1x1x128xi32, #tpu.memory_space<vmem>>
      %dma_start3A_370 = tpu.memref_squeeze %dma_start3A_369 : memref<1x1x128xi32, #tpu.memory_space<vmem>> -> memref<128xi32, #tpu.memory_space<vmem>>
      %dma_start3A_371 = arith.constant 0 : i32
      %dma_start3A_372 = arith.constant 0 : i32
      %dma_start3A_373 = tpu.memref_slice %arg10[%dma_start3A_371, %dma_start3A_372] : memref<10112x128xf32, #tpu.memory_space<vmem_shared>> -> memref<10112x128xf32, #tpu.memory_space<vmem_shared>>
      tpu.enqueue_indirect_dma source(%dma_start3A_367 : memref<128x128xf32, #tpu.memory_space<vmem>>) target(%dma_start3A_373 : memref<10112x128xf32, #tpu.memory_space<vmem_shared>>) offsets(%dma_start3A_370 : memref<128xi32, #tpu.memory_space<vmem>>) semaphore(%arg13 : memref<!tpu.dma_semaphore, #tpu.memory_space<semaphore_mem>>) {add = true}
      %mul3A_374 = arith.constant 16 : i32
      %mul3A_375 = arith.muli %scan3A_28, %mul3A_374 : i32
      %add3A_376 = arith.constant 7 : i32
      %add3A_377 = arith.addi %mul3A_375, %add3A_376 : i32
      %dma_wait3A_378 = arith.constant 0 : i32
      %dma_wait3A_379 = arith.constant 6 : i32
      %dma_wait3A_380 = arith.constant 0 : i32
      %dma_wait3A_381 = arith.constant 0 : i32
      %dma_wait3A_382 = tpu.memref_slice %arg9[%dma_wait3A_378, %dma_wait3A_380, %dma_wait3A_381] : memref<2x128x128xf32, #tpu.memory_space<vmem>> -> memref<1x128x128xf32, #tpu.memory_space<vmem>>
      %dma_wait3A_383 = tpu.memref_squeeze %dma_wait3A_382 : memref<1x128x128xf32, #tpu.memory_space<vmem>> -> memref<128x128xf32, #tpu.memory_space<vmem>>
      %dma_wait3A_384 = arith.constant 0 : i32
      %dma_wait3A_385 = tpu.memref_slice %arg8[%rem3A_29, %dma_wait3A_379, %dma_wait3A_384] : memref<2x16x128xi32, #tpu.memory_space<vmem>> -> memref<1x1x128xi32, #tpu.memory_space<vmem>>
      %dma_wait3A_386 = tpu.memref_squeeze %dma_wait3A_385 : memref<1x1x128xi32, #tpu.memory_space<vmem>> -> memref<128xi32, #tpu.memory_space<vmem>>
      %dma_wait3A_387 = arith.constant 0 : i32
      %dma_wait3A_388 = arith.constant 0 : i32
      %dma_wait3A_389 = tpu.memref_slice %arg10[%dma_wait3A_387, %dma_wait3A_388] : memref<10112x128xf32, #tpu.memory_space<vmem_shared>> -> memref<10112x128xf32, #tpu.memory_space<vmem_shared>>
      tpu.wait_indirect_dma semaphore(%arg13 : memref<!tpu.dma_semaphore, #tpu.memory_space<semaphore_mem>>) src(%dma_wait3A_383 : memref<128x128xf32, #tpu.memory_space<vmem>>) dst(%dma_wait3A_389 : memref<10112x128xf32, #tpu.memory_space<vmem_shared>>)
      %add3A_390 = arith.constant 1 : i32
      %add3A_391 = arith.addi %add3A_377, %add3A_390 : i32
      %lt3A_392 = arith.constant 80 : i32
      %lt3A_393 = arith.cmpi slt, %add3A_391, %lt3A_392 : i32
      %convert_element_type3A_394 = arith.extui %lt3A_393 : i1 to i32
      %cond3A_395 = arith.constant 0 : i32
      %cond3A_396 = arith.cmpi ne, %convert_element_type3A_394, %cond3A_395 : i32
      scf.if %cond3A_396 {
        %add3A_814 = arith.constant 1 : i32
        %add3A_815 = arith.addi %add3A_377, %add3A_814 : i32
        %dma_start3A_816 = arith.constant 0 : i32
        %dma_start3A_817 = arith.constant 0 : i32
        %dma_start3A_818 = arith.constant 0 : i32
        %dma_start3A_819 = tpu.memref_slice %arg9[%dma_start3A_816, %dma_start3A_817, %dma_start3A_818] : memref<2x128x128xf32, #tpu.memory_space<vmem>> -> memref<1x128x128xf32, #tpu.memory_space<vmem>>
        %dma_start3A_820 = tpu.memref_squeeze %dma_start3A_819 : memref<1x128x128xf32, #tpu.memory_space<vmem>> -> memref<128x128xf32, #tpu.memory_space<vmem>>
        %dma_start3A_821 = arith.constant 0 : i32
        %dma_start3A_822 = tpu.memref_slice %arg7[%add3A_815, %dma_start3A_821] : memref<80x128xi32, #tpu.memory_space<vmem>> -> memref<1x128xi32, #tpu.memory_space<vmem>>
        %dma_start3A_823 = tpu.memref_squeeze %dma_start3A_822 : memref<1x128xi32, #tpu.memory_space<vmem>> -> memref<128xi32, #tpu.memory_space<vmem>>
        %dma_start3A_824 = arith.constant 0 : i32
        %dma_start3A_825 = arith.constant 0 : i32
        %dma_start3A_826 = tpu.memref_slice %arg4[%arg0, %dma_start3A_824, %dma_start3A_825] : memref<2x10000x128xf32, #tpu.memory_space<hbm>> -> memref<1x10000x128xf32, #tpu.memory_space<hbm>>
        %dma_start3A_827 = tpu.memref_squeeze %dma_start3A_826 : memref<1x10000x128xf32, #tpu.memory_space<hbm>> -> memref<10000x128xf32, #tpu.memory_space<hbm>>
        %dma_start3A_828 = arith.constant 0 : i32
        %dma_start3A_829 = arith.constant 0 : i32
        %dma_start3A_830 = tpu.memref_slice %dma_start3A_827[%dma_start3A_828, %dma_start3A_829] : memref<10000x128xf32, #tpu.memory_space<hbm>> -> memref<10000x128xf32, #tpu.memory_space<hbm>>
        tpu.enqueue_indirect_dma source(%dma_start3A_830 : memref<10000x128xf32, #tpu.memory_space<hbm>>) target(%dma_start3A_820 : memref<128x128xf32, #tpu.memory_space<vmem>>) offsets(%dma_start3A_823 : memref<128xi32, #tpu.memory_space<vmem>>) semaphore(%arg11 : memref<!tpu.dma_semaphore, #tpu.memory_space<semaphore_mem>>)
      } else {
      }
      %dma_wait3A_397 = arith.constant 1 : i32
      %dma_wait3A_398 = arith.constant 0 : i32
      %dma_wait3A_399 = arith.constant 0 : i32
      %dma_wait3A_400 = tpu.memref_slice %arg9[%dma_wait3A_397, %dma_wait3A_398, %dma_wait3A_399] : memref<2x128x128xf32, #tpu.memory_space<vmem>> -> memref<1x128x128xf32, #tpu.memory_space<vmem>>
      %dma_wait3A_401 = tpu.memref_squeeze %dma_wait3A_400 : memref<1x128x128xf32, #tpu.memory_space<vmem>> -> memref<128x128xf32, #tpu.memory_space<vmem>>
      %dma_wait3A_402 = arith.constant 0 : i32
      %dma_wait3A_403 = tpu.memref_slice %arg7[%add3A_377, %dma_wait3A_402] : memref<80x128xi32, #tpu.memory_space<vmem>> -> memref<1x128xi32, #tpu.memory_space<vmem>>
      %dma_wait3A_404 = tpu.memref_squeeze %dma_wait3A_403 : memref<1x128xi32, #tpu.memory_space<vmem>> -> memref<128xi32, #tpu.memory_space<vmem>>
      %dma_wait3A_405 = arith.constant 0 : i32
      %dma_wait3A_406 = arith.constant 0 : i32
      %dma_wait3A_407 = tpu.memref_slice %arg4[%arg0, %dma_wait3A_405, %dma_wait3A_406] : memref<2x10000x128xf32, #tpu.memory_space<hbm>> -> memref<1x10000x128xf32, #tpu.memory_space<hbm>>
      %dma_wait3A_408 = tpu.memref_squeeze %dma_wait3A_407 : memref<1x10000x128xf32, #tpu.memory_space<hbm>> -> memref<10000x128xf32, #tpu.memory_space<hbm>>
      %dma_wait3A_409 = arith.constant 0 : i32
      %dma_wait3A_410 = arith.constant 0 : i32
      %dma_wait3A_411 = tpu.memref_slice %dma_wait3A_408[%dma_wait3A_409, %dma_wait3A_410] : memref<10000x128xf32, #tpu.memory_space<hbm>> -> memref<10000x128xf32, #tpu.memory_space<hbm>>
      tpu.wait_indirect_dma semaphore(%arg12 : memref<!tpu.dma_semaphore, #tpu.memory_space<semaphore_mem>>) src(%dma_wait3A_411 : memref<10000x128xf32, #tpu.memory_space<hbm>>) dst(%dma_wait3A_401 : memref<128x128xf32, #tpu.memory_space<vmem>>)
      %dma_start3A_412 = arith.constant 1 : i32
      %dma_start3A_413 = arith.constant 7 : i32
      %dma_start3A_414 = arith.constant 0 : i32
      %dma_start3A_415 = arith.constant 0 : i32
      %dma_start3A_416 = tpu.memref_slice %arg9[%dma_start3A_412, %dma_start3A_414, %dma_start3A_415] : memref<2x128x128xf32, #tpu.memory_space<vmem>> -> memref<1x128x128xf32, #tpu.memory_space<vmem>>
      %dma_start3A_417 = tpu.memref_squeeze %dma_start3A_416 : memref<1x128x128xf32, #tpu.memory_space<vmem>> -> memref<128x128xf32, #tpu.memory_space<vmem>>
      %dma_start3A_418 = arith.constant 0 : i32
      %dma_start3A_419 = tpu.memref_slice %arg8[%rem3A_29, %dma_start3A_413, %dma_start3A_418] : memref<2x16x128xi32, #tpu.memory_space<vmem>> -> memref<1x1x128xi32, #tpu.memory_space<vmem>>
      %dma_start3A_420 = tpu.memref_squeeze %dma_start3A_419 : memref<1x1x128xi32, #tpu.memory_space<vmem>> -> memref<128xi32, #tpu.memory_space<vmem>>
      %dma_start3A_421 = arith.constant 0 : i32
      %dma_start3A_422 = arith.constant 0 : i32
      %dma_start3A_423 = tpu.memref_slice %arg10[%dma_start3A_421, %dma_start3A_422] : memref<10112x128xf32, #tpu.memory_space<vmem_shared>> -> memref<10112x128xf32, #tpu.memory_space<vmem_shared>>
      tpu.enqueue_indirect_dma source(%dma_start3A_417 : memref<128x128xf32, #tpu.memory_space<vmem>>) target(%dma_start3A_423 : memref<10112x128xf32, #tpu.memory_space<vmem_shared>>) offsets(%dma_start3A_420 : memref<128xi32, #tpu.memory_space<vmem>>) semaphore(%arg14 : memref<!tpu.dma_semaphore, #tpu.memory_space<semaphore_mem>>) {add = true}
      %mul3A_424 = arith.constant 16 : i32
      %mul3A_425 = arith.muli %scan3A_28, %mul3A_424 : i32
      %add3A_426 = arith.constant 8 : i32
      %add3A_427 = arith.addi %mul3A_425, %add3A_426 : i32
      %dma_wait3A_428 = arith.constant 1 : i32
      %dma_wait3A_429 = arith.constant 7 : i32
      %dma_wait3A_430 = arith.constant 0 : i32
      %dma_wait3A_431 = arith.constant 0 : i32
      %dma_wait3A_432 = tpu.memref_slice %arg9[%dma_wait3A_428, %dma_wait3A_430, %dma_wait3A_431] : memref<2x128x128xf32, #tpu.memory_space<vmem>> -> memref<1x128x128xf32, #tpu.memory_space<vmem>>
      %dma_wait3A_433 = tpu.memref_squeeze %dma_wait3A_432 : memref<1x128x128xf32, #tpu.memory_space<vmem>> -> memref<128x128xf32, #tpu.memory_space<vmem>>
      %dma_wait3A_434 = arith.constant 0 : i32
      %dma_wait3A_435 = tpu.memref_slice %arg8[%rem3A_29, %dma_wait3A_429, %dma_wait3A_434] : memref<2x16x128xi32, #tpu.memory_space<vmem>> -> memref<1x1x128xi32, #tpu.memory_space<vmem>>
      %dma_wait3A_436 = tpu.memref_squeeze %dma_wait3A_435 : memref<1x1x128xi32, #tpu.memory_space<vmem>> -> memref<128xi32, #tpu.memory_space<vmem>>
      %dma_wait3A_437 = arith.constant 0 : i32
      %dma_wait3A_438 = arith.constant 0 : i32
      %dma_wait3A_439 = tpu.memref_slice %arg10[%dma_wait3A_437, %dma_wait3A_438] : memref<10112x128xf32, #tpu.memory_space<vmem_shared>> -> memref<10112x128xf32, #tpu.memory_space<vmem_shared>>
      tpu.wait_indirect_dma semaphore(%arg14 : memref<!tpu.dma_semaphore, #tpu.memory_space<semaphore_mem>>) src(%dma_wait3A_433 : memref<128x128xf32, #tpu.memory_space<vmem>>) dst(%dma_wait3A_439 : memref<10112x128xf32, #tpu.memory_space<vmem_shared>>)
      %add3A_440 = arith.constant 1 : i32
      %add3A_441 = arith.addi %add3A_427, %add3A_440 : i32
      %lt3A_442 = arith.constant 80 : i32
      %lt3A_443 = arith.cmpi slt, %add3A_441, %lt3A_442 : i32
      %convert_element_type3A_444 = arith.extui %lt3A_443 : i1 to i32
      %cond3A_445 = arith.constant 0 : i32
      %cond3A_446 = arith.cmpi ne, %convert_element_type3A_444, %cond3A_445 : i32
      scf.if %cond3A_446 {
        %add3A_814 = arith.constant 1 : i32
        %add3A_815 = arith.addi %add3A_427, %add3A_814 : i32
        %dma_start3A_816 = arith.constant 1 : i32
        %dma_start3A_817 = arith.constant 0 : i32
        %dma_start3A_818 = arith.constant 0 : i32
        %dma_start3A_819 = tpu.memref_slice %arg9[%dma_start3A_816, %dma_start3A_817, %dma_start3A_818] : memref<2x128x128xf32, #tpu.memory_space<vmem>> -> memref<1x128x128xf32, #tpu.memory_space<vmem>>
        %dma_start3A_820 = tpu.memref_squeeze %dma_start3A_819 : memref<1x128x128xf32, #tpu.memory_space<vmem>> -> memref<128x128xf32, #tpu.memory_space<vmem>>
        %dma_start3A_821 = arith.constant 0 : i32
        %dma_start3A_822 = tpu.memref_slice %arg7[%add3A_815, %dma_start3A_821] : memref<80x128xi32, #tpu.memory_space<vmem>> -> memref<1x128xi32, #tpu.memory_space<vmem>>
        %dma_start3A_823 = tpu.memref_squeeze %dma_start3A_822 : memref<1x128xi32, #tpu.memory_space<vmem>> -> memref<128xi32, #tpu.memory_space<vmem>>
        %dma_start3A_824 = arith.constant 0 : i32
        %dma_start3A_825 = arith.constant 0 : i32
        %dma_start3A_826 = tpu.memref_slice %arg4[%arg0, %dma_start3A_824, %dma_start3A_825] : memref<2x10000x128xf32, #tpu.memory_space<hbm>> -> memref<1x10000x128xf32, #tpu.memory_space<hbm>>
        %dma_start3A_827 = tpu.memref_squeeze %dma_start3A_826 : memref<1x10000x128xf32, #tpu.memory_space<hbm>> -> memref<10000x128xf32, #tpu.memory_space<hbm>>
        %dma_start3A_828 = arith.constant 0 : i32
        %dma_start3A_829 = arith.constant 0 : i32
        %dma_start3A_830 = tpu.memref_slice %dma_start3A_827[%dma_start3A_828, %dma_start3A_829] : memref<10000x128xf32, #tpu.memory_space<hbm>> -> memref<10000x128xf32, #tpu.memory_space<hbm>>
        tpu.enqueue_indirect_dma source(%dma_start3A_830 : memref<10000x128xf32, #tpu.memory_space<hbm>>) target(%dma_start3A_820 : memref<128x128xf32, #tpu.memory_space<vmem>>) offsets(%dma_start3A_823 : memref<128xi32, #tpu.memory_space<vmem>>) semaphore(%arg12 : memref<!tpu.dma_semaphore, #tpu.memory_space<semaphore_mem>>)
      } else {
      }
      %dma_wait3A_447 = arith.constant 0 : i32
      %dma_wait3A_448 = arith.constant 0 : i32
      %dma_wait3A_449 = arith.constant 0 : i32
      %dma_wait3A_450 = tpu.memref_slice %arg9[%dma_wait3A_447, %dma_wait3A_448, %dma_wait3A_449] : memref<2x128x128xf32, #tpu.memory_space<vmem>> -> memref<1x128x128xf32, #tpu.memory_space<vmem>>
      %dma_wait3A_451 = tpu.memref_squeeze %dma_wait3A_450 : memref<1x128x128xf32, #tpu.memory_space<vmem>> -> memref<128x128xf32, #tpu.memory_space<vmem>>
      %dma_wait3A_452 = arith.constant 0 : i32
      %dma_wait3A_453 = tpu.memref_slice %arg7[%add3A_427, %dma_wait3A_452] : memref<80x128xi32, #tpu.memory_space<vmem>> -> memref<1x128xi32, #tpu.memory_space<vmem>>
      %dma_wait3A_454 = tpu.memref_squeeze %dma_wait3A_453 : memref<1x128xi32, #tpu.memory_space<vmem>> -> memref<128xi32, #tpu.memory_space<vmem>>
      %dma_wait3A_455 = arith.constant 0 : i32
      %dma_wait3A_456 = arith.constant 0 : i32
      %dma_wait3A_457 = tpu.memref_slice %arg4[%arg0, %dma_wait3A_455, %dma_wait3A_456] : memref<2x10000x128xf32, #tpu.memory_space<hbm>> -> memref<1x10000x128xf32, #tpu.memory_space<hbm>>
      %dma_wait3A_458 = tpu.memref_squeeze %dma_wait3A_457 : memref<1x10000x128xf32, #tpu.memory_space<hbm>> -> memref<10000x128xf32, #tpu.memory_space<hbm>>
      %dma_wait3A_459 = arith.constant 0 : i32
      %dma_wait3A_460 = arith.constant 0 : i32
      %dma_wait3A_461 = tpu.memref_slice %dma_wait3A_458[%dma_wait3A_459, %dma_wait3A_460] : memref<10000x128xf32, #tpu.memory_space<hbm>> -> memref<10000x128xf32, #tpu.memory_space<hbm>>
      tpu.wait_indirect_dma semaphore(%arg11 : memref<!tpu.dma_semaphore, #tpu.memory_space<semaphore_mem>>) src(%dma_wait3A_461 : memref<10000x128xf32, #tpu.memory_space<hbm>>) dst(%dma_wait3A_451 : memref<128x128xf32, #tpu.memory_space<vmem>>)
      %dma_start3A_462 = arith.constant 0 : i32
      %dma_start3A_463 = arith.constant 8 : i32
      %dma_start3A_464 = arith.constant 0 : i32
      %dma_start3A_465 = arith.constant 0 : i32
      %dma_start3A_466 = tpu.memref_slice %arg9[%dma_start3A_462, %dma_start3A_464, %dma_start3A_465] : memref<2x128x128xf32, #tpu.memory_space<vmem>> -> memref<1x128x128xf32, #tpu.memory_space<vmem>>
      %dma_start3A_467 = tpu.memref_squeeze %dma_start3A_466 : memref<1x128x128xf32, #tpu.memory_space<vmem>> -> memref<128x128xf32, #tpu.memory_space<vmem>>
      %dma_start3A_468 = arith.constant 0 : i32
      %dma_start3A_469 = tpu.memref_slice %arg8[%rem3A_29, %dma_start3A_463, %dma_start3A_468] : memref<2x16x128xi32, #tpu.memory_space<vmem>> -> memref<1x1x128xi32, #tpu.memory_space<vmem>>
      %dma_start3A_470 = tpu.memref_squeeze %dma_start3A_469 : memref<1x1x128xi32, #tpu.memory_space<vmem>> -> memref<128xi32, #tpu.memory_space<vmem>>
      %dma_start3A_471 = arith.constant 0 : i32
      %dma_start3A_472 = arith.constant 0 : i32
      %dma_start3A_473 = tpu.memref_slice %arg10[%dma_start3A_471, %dma_start3A_472] : memref<10112x128xf32, #tpu.memory_space<vmem_shared>> -> memref<10112x128xf32, #tpu.memory_space<vmem_shared>>
      tpu.enqueue_indirect_dma source(%dma_start3A_467 : memref<128x128xf32, #tpu.memory_space<vmem>>) target(%dma_start3A_473 : memref<10112x128xf32, #tpu.memory_space<vmem_shared>>) offsets(%dma_start3A_470 : memref<128xi32, #tpu.memory_space<vmem>>) semaphore(%arg13 : memref<!tpu.dma_semaphore, #tpu.memory_space<semaphore_mem>>) {add = true}
      %mul3A_474 = arith.constant 16 : i32
      %mul3A_475 = arith.muli %scan3A_28, %mul3A_474 : i32
      %add3A_476 = arith.constant 9 : i32
      %add3A_477 = arith.addi %mul3A_475, %add3A_476 : i32
      %dma_wait3A_478 = arith.constant 0 : i32
      %dma_wait3A_479 = arith.constant 8 : i32
      %dma_wait3A_480 = arith.constant 0 : i32
      %dma_wait3A_481 = arith.constant 0 : i32
      %dma_wait3A_482 = tpu.memref_slice %arg9[%dma_wait3A_478, %dma_wait3A_480, %dma_wait3A_481] : memref<2x128x128xf32, #tpu.memory_space<vmem>> -> memref<1x128x128xf32, #tpu.memory_space<vmem>>
      %dma_wait3A_483 = tpu.memref_squeeze %dma_wait3A_482 : memref<1x128x128xf32, #tpu.memory_space<vmem>> -> memref<128x128xf32, #tpu.memory_space<vmem>>
      %dma_wait3A_484 = arith.constant 0 : i32
      %dma_wait3A_485 = tpu.memref_slice %arg8[%rem3A_29, %dma_wait3A_479, %dma_wait3A_484] : memref<2x16x128xi32, #tpu.memory_space<vmem>> -> memref<1x1x128xi32, #tpu.memory_space<vmem>>
      %dma_wait3A_486 = tpu.memref_squeeze %dma_wait3A_485 : memref<1x1x128xi32, #tpu.memory_space<vmem>> -> memref<128xi32, #tpu.memory_space<vmem>>
      %dma_wait3A_487 = arith.constant 0 : i32
      %dma_wait3A_488 = arith.constant 0 : i32
      %dma_wait3A_489 = tpu.memref_slice %arg10[%dma_wait3A_487, %dma_wait3A_488] : memref<10112x128xf32, #tpu.memory_space<vmem_shared>> -> memref<10112x128xf32, #tpu.memory_space<vmem_shared>>
      tpu.wait_indirect_dma semaphore(%arg13 : memref<!tpu.dma_semaphore, #tpu.memory_space<semaphore_mem>>) src(%dma_wait3A_483 : memref<128x128xf32, #tpu.memory_space<vmem>>) dst(%dma_wait3A_489 : memref<10112x128xf32, #tpu.memory_space<vmem_shared>>)
      %add3A_490 = arith.constant 1 : i32
      %add3A_491 = arith.addi %add3A_477, %add3A_490 : i32
      %lt3A_492 = arith.constant 80 : i32
      %lt3A_493 = arith.cmpi slt, %add3A_491, %lt3A_492 : i32
      %convert_element_type3A_494 = arith.extui %lt3A_493 : i1 to i32
      %cond3A_495 = arith.constant 0 : i32
      %cond3A_496 = arith.cmpi ne, %convert_element_type3A_494, %cond3A_495 : i32
      scf.if %cond3A_496 {
        %add3A_814 = arith.constant 1 : i32
        %add3A_815 = arith.addi %add3A_477, %add3A_814 : i32
        %dma_start3A_816 = arith.constant 0 : i32
        %dma_start3A_817 = arith.constant 0 : i32
        %dma_start3A_818 = arith.constant 0 : i32
        %dma_start3A_819 = tpu.memref_slice %arg9[%dma_start3A_816, %dma_start3A_817, %dma_start3A_818] : memref<2x128x128xf32, #tpu.memory_space<vmem>> -> memref<1x128x128xf32, #tpu.memory_space<vmem>>
        %dma_start3A_820 = tpu.memref_squeeze %dma_start3A_819 : memref<1x128x128xf32, #tpu.memory_space<vmem>> -> memref<128x128xf32, #tpu.memory_space<vmem>>
        %dma_start3A_821 = arith.constant 0 : i32
        %dma_start3A_822 = tpu.memref_slice %arg7[%add3A_815, %dma_start3A_821] : memref<80x128xi32, #tpu.memory_space<vmem>> -> memref<1x128xi32, #tpu.memory_space<vmem>>
        %dma_start3A_823 = tpu.memref_squeeze %dma_start3A_822 : memref<1x128xi32, #tpu.memory_space<vmem>> -> memref<128xi32, #tpu.memory_space<vmem>>
        %dma_start3A_824 = arith.constant 0 : i32
        %dma_start3A_825 = arith.constant 0 : i32
        %dma_start3A_826 = tpu.memref_slice %arg4[%arg0, %dma_start3A_824, %dma_start3A_825] : memref<2x10000x128xf32, #tpu.memory_space<hbm>> -> memref<1x10000x128xf32, #tpu.memory_space<hbm>>
        %dma_start3A_827 = tpu.memref_squeeze %dma_start3A_826 : memref<1x10000x128xf32, #tpu.memory_space<hbm>> -> memref<10000x128xf32, #tpu.memory_space<hbm>>
        %dma_start3A_828 = arith.constant 0 : i32
        %dma_start3A_829 = arith.constant 0 : i32
        %dma_start3A_830 = tpu.memref_slice %dma_start3A_827[%dma_start3A_828, %dma_start3A_829] : memref<10000x128xf32, #tpu.memory_space<hbm>> -> memref<10000x128xf32, #tpu.memory_space<hbm>>
        tpu.enqueue_indirect_dma source(%dma_start3A_830 : memref<10000x128xf32, #tpu.memory_space<hbm>>) target(%dma_start3A_820 : memref<128x128xf32, #tpu.memory_space<vmem>>) offsets(%dma_start3A_823 : memref<128xi32, #tpu.memory_space<vmem>>) semaphore(%arg11 : memref<!tpu.dma_semaphore, #tpu.memory_space<semaphore_mem>>)
      } else {
      }
      %dma_wait3A_497 = arith.constant 1 : i32
      %dma_wait3A_498 = arith.constant 0 : i32
      %dma_wait3A_499 = arith.constant 0 : i32
      %dma_wait3A_500 = tpu.memref_slice %arg9[%dma_wait3A_497, %dma_wait3A_498, %dma_wait3A_499] : memref<2x128x128xf32, #tpu.memory_space<vmem>> -> memref<1x128x128xf32, #tpu.memory_space<vmem>>
      %dma_wait3A_501 = tpu.memref_squeeze %dma_wait3A_500 : memref<1x128x128xf32, #tpu.memory_space<vmem>> -> memref<128x128xf32, #tpu.memory_space<vmem>>
      %dma_wait3A_502 = arith.constant 0 : i32
      %dma_wait3A_503 = tpu.memref_slice %arg7[%add3A_477, %dma_wait3A_502] : memref<80x128xi32, #tpu.memory_space<vmem>> -> memref<1x128xi32, #tpu.memory_space<vmem>>
      %dma_wait3A_504 = tpu.memref_squeeze %dma_wait3A_503 : memref<1x128xi32, #tpu.memory_space<vmem>> -> memref<128xi32, #tpu.memory_space<vmem>>
      %dma_wait3A_505 = arith.constant 0 : i32
      %dma_wait3A_506 = arith.constant 0 : i32
      %dma_wait3A_507 = tpu.memref_slice %arg4[%arg0, %dma_wait3A_505, %dma_wait3A_506] : memref<2x10000x128xf32, #tpu.memory_space<hbm>> -> memref<1x10000x128xf32, #tpu.memory_space<hbm>>
      %dma_wait3A_508 = tpu.memref_squeeze %dma_wait3A_507 : memref<1x10000x128xf32, #tpu.memory_space<hbm>> -> memref<10000x128xf32, #tpu.memory_space<hbm>>
      %dma_wait3A_509 = arith.constant 0 : i32
      %dma_wait3A_510 = arith.constant 0 : i32
      %dma_wait3A_511 = tpu.memref_slice %dma_wait3A_508[%dma_wait3A_509, %dma_wait3A_510] : memref<10000x128xf32, #tpu.memory_space<hbm>> -> memref<10000x128xf32, #tpu.memory_space<hbm>>
      tpu.wait_indirect_dma semaphore(%arg12 : memref<!tpu.dma_semaphore, #tpu.memory_space<semaphore_mem>>) src(%dma_wait3A_511 : memref<10000x128xf32, #tpu.memory_space<hbm>>) dst(%dma_wait3A_501 : memref<128x128xf32, #tpu.memory_space<vmem>>)
      %dma_start3A_512 = arith.constant 1 : i32
      %dma_start3A_513 = arith.constant 9 : i32
      %dma_start3A_514 = arith.constant 0 : i32
      %dma_start3A_515 = arith.constant 0 : i32
      %dma_start3A_516 = tpu.memref_slice %arg9[%dma_start3A_512, %dma_start3A_514, %dma_start3A_515] : memref<2x128x128xf32, #tpu.memory_space<vmem>> -> memref<1x128x128xf32, #tpu.memory_space<vmem>>
      %dma_start3A_517 = tpu.memref_squeeze %dma_start3A_516 : memref<1x128x128xf32, #tpu.memory_space<vmem>> -> memref<128x128xf32, #tpu.memory_space<vmem>>
      %dma_start3A_518 = arith.constant 0 : i32
      %dma_start3A_519 = tpu.memref_slice %arg8[%rem3A_29, %dma_start3A_513, %dma_start3A_518] : memref<2x16x128xi32, #tpu.memory_space<vmem>> -> memref<1x1x128xi32, #tpu.memory_space<vmem>>
      %dma_start3A_520 = tpu.memref_squeeze %dma_start3A_519 : memref<1x1x128xi32, #tpu.memory_space<vmem>> -> memref<128xi32, #tpu.memory_space<vmem>>
      %dma_start3A_521 = arith.constant 0 : i32
      %dma_start3A_522 = arith.constant 0 : i32
      %dma_start3A_523 = tpu.memref_slice %arg10[%dma_start3A_521, %dma_start3A_522] : memref<10112x128xf32, #tpu.memory_space<vmem_shared>> -> memref<10112x128xf32, #tpu.memory_space<vmem_shared>>
      tpu.enqueue_indirect_dma source(%dma_start3A_517 : memref<128x128xf32, #tpu.memory_space<vmem>>) target(%dma_start3A_523 : memref<10112x128xf32, #tpu.memory_space<vmem_shared>>) offsets(%dma_start3A_520 : memref<128xi32, #tpu.memory_space<vmem>>) semaphore(%arg14 : memref<!tpu.dma_semaphore, #tpu.memory_space<semaphore_mem>>) {add = true}
      %mul3A_524 = arith.constant 16 : i32
      %mul3A_525 = arith.muli %scan3A_28, %mul3A_524 : i32
      %add3A_526 = arith.constant 10 : i32
      %add3A_527 = arith.addi %mul3A_525, %add3A_526 : i32
      %dma_wait3A_528 = arith.constant 1 : i32
      %dma_wait3A_529 = arith.constant 9 : i32
      %dma_wait3A_530 = arith.constant 0 : i32
      %dma_wait3A_531 = arith.constant 0 : i32
      %dma_wait3A_532 = tpu.memref_slice %arg9[%dma_wait3A_528, %dma_wait3A_530, %dma_wait3A_531] : memref<2x128x128xf32, #tpu.memory_space<vmem>> -> memref<1x128x128xf32, #tpu.memory_space<vmem>>
      %dma_wait3A_533 = tpu.memref_squeeze %dma_wait3A_532 : memref<1x128x128xf32, #tpu.memory_space<vmem>> -> memref<128x128xf32, #tpu.memory_space<vmem>>
      %dma_wait3A_534 = arith.constant 0 : i32
      %dma_wait3A_535 = tpu.memref_slice %arg8[%rem3A_29, %dma_wait3A_529, %dma_wait3A_534] : memref<2x16x128xi32, #tpu.memory_space<vmem>> -> memref<1x1x128xi32, #tpu.memory_space<vmem>>
      %dma_wait3A_536 = tpu.memref_squeeze %dma_wait3A_535 : memref<1x1x128xi32, #tpu.memory_space<vmem>> -> memref<128xi32, #tpu.memory_space<vmem>>
      %dma_wait3A_537 = arith.constant 0 : i32
      %dma_wait3A_538 = arith.constant 0 : i32
      %dma_wait3A_539 = tpu.memref_slice %arg10[%dma_wait3A_537, %dma_wait3A_538] : memref<10112x128xf32, #tpu.memory_space<vmem_shared>> -> memref<10112x128xf32, #tpu.memory_space<vmem_shared>>
      tpu.wait_indirect_dma semaphore(%arg14 : memref<!tpu.dma_semaphore, #tpu.memory_space<semaphore_mem>>) src(%dma_wait3A_533 : memref<128x128xf32, #tpu.memory_space<vmem>>) dst(%dma_wait3A_539 : memref<10112x128xf32, #tpu.memory_space<vmem_shared>>)
      %add3A_540 = arith.constant 1 : i32
      %add3A_541 = arith.addi %add3A_527, %add3A_540 : i32
      %lt3A_542 = arith.constant 80 : i32
      %lt3A_543 = arith.cmpi slt, %add3A_541, %lt3A_542 : i32
      %convert_element_type3A_544 = arith.extui %lt3A_543 : i1 to i32
      %cond3A_545 = arith.constant 0 : i32
      %cond3A_546 = arith.cmpi ne, %convert_element_type3A_544, %cond3A_545 : i32
      scf.if %cond3A_546 {
        %add3A_814 = arith.constant 1 : i32
        %add3A_815 = arith.addi %add3A_527, %add3A_814 : i32
        %dma_start3A_816 = arith.constant 1 : i32
        %dma_start3A_817 = arith.constant 0 : i32
        %dma_start3A_818 = arith.constant 0 : i32
        %dma_start3A_819 = tpu.memref_slice %arg9[%dma_start3A_816, %dma_start3A_817, %dma_start3A_818] : memref<2x128x128xf32, #tpu.memory_space<vmem>> -> memref<1x128x128xf32, #tpu.memory_space<vmem>>
        %dma_start3A_820 = tpu.memref_squeeze %dma_start3A_819 : memref<1x128x128xf32, #tpu.memory_space<vmem>> -> memref<128x128xf32, #tpu.memory_space<vmem>>
        %dma_start3A_821 = arith.constant 0 : i32
        %dma_start3A_822 = tpu.memref_slice %arg7[%add3A_815, %dma_start3A_821] : memref<80x128xi32, #tpu.memory_space<vmem>> -> memref<1x128xi32, #tpu.memory_space<vmem>>
        %dma_start3A_823 = tpu.memref_squeeze %dma_start3A_822 : memref<1x128xi32, #tpu.memory_space<vmem>> -> memref<128xi32, #tpu.memory_space<vmem>>
        %dma_start3A_824 = arith.constant 0 : i32
        %dma_start3A_825 = arith.constant 0 : i32
        %dma_start3A_826 = tpu.memref_slice %arg4[%arg0, %dma_start3A_824, %dma_start3A_825] : memref<2x10000x128xf32, #tpu.memory_space<hbm>> -> memref<1x10000x128xf32, #tpu.memory_space<hbm>>
        %dma_start3A_827 = tpu.memref_squeeze %dma_start3A_826 : memref<1x10000x128xf32, #tpu.memory_space<hbm>> -> memref<10000x128xf32, #tpu.memory_space<hbm>>
        %dma_start3A_828 = arith.constant 0 : i32
        %dma_start3A_829 = arith.constant 0 : i32
        %dma_start3A_830 = tpu.memref_slice %dma_start3A_827[%dma_start3A_828, %dma_start3A_829] : memref<10000x128xf32, #tpu.memory_space<hbm>> -> memref<10000x128xf32, #tpu.memory_space<hbm>>
        tpu.enqueue_indirect_dma source(%dma_start3A_830 : memref<10000x128xf32, #tpu.memory_space<hbm>>) target(%dma_start3A_820 : memref<128x128xf32, #tpu.memory_space<vmem>>) offsets(%dma_start3A_823 : memref<128xi32, #tpu.memory_space<vmem>>) semaphore(%arg12 : memref<!tpu.dma_semaphore, #tpu.memory_space<semaphore_mem>>)
      } else {
      }
      %dma_wait3A_547 = arith.constant 0 : i32
      %dma_wait3A_548 = arith.constant 0 : i32
      %dma_wait3A_549 = arith.constant 0 : i32
      %dma_wait3A_550 = tpu.memref_slice %arg9[%dma_wait3A_547, %dma_wait3A_548, %dma_wait3A_549] : memref<2x128x128xf32, #tpu.memory_space<vmem>> -> memref<1x128x128xf32, #tpu.memory_space<vmem>>
      %dma_wait3A_551 = tpu.memref_squeeze %dma_wait3A_550 : memref<1x128x128xf32, #tpu.memory_space<vmem>> -> memref<128x128xf32, #tpu.memory_space<vmem>>
      %dma_wait3A_552 = arith.constant 0 : i32
      %dma_wait3A_553 = tpu.memref_slice %arg7[%add3A_527, %dma_wait3A_552] : memref<80x128xi32, #tpu.memory_space<vmem>> -> memref<1x128xi32, #tpu.memory_space<vmem>>
      %dma_wait3A_554 = tpu.memref_squeeze %dma_wait3A_553 : memref<1x128xi32, #tpu.memory_space<vmem>> -> memref<128xi32, #tpu.memory_space<vmem>>
      %dma_wait3A_555 = arith.constant 0 : i32
      %dma_wait3A_556 = arith.constant 0 : i32
      %dma_wait3A_557 = tpu.memref_slice %arg4[%arg0, %dma_wait3A_555, %dma_wait3A_556] : memref<2x10000x128xf32, #tpu.memory_space<hbm>> -> memref<1x10000x128xf32, #tpu.memory_space<hbm>>
      %dma_wait3A_558 = tpu.memref_squeeze %dma_wait3A_557 : memref<1x10000x128xf32, #tpu.memory_space<hbm>> -> memref<10000x128xf32, #tpu.memory_space<hbm>>
      %dma_wait3A_559 = arith.constant 0 : i32
      %dma_wait3A_560 = arith.constant 0 : i32
      %dma_wait3A_561 = tpu.memref_slice %dma_wait3A_558[%dma_wait3A_559, %dma_wait3A_560] : memref<10000x128xf32, #tpu.memory_space<hbm>> -> memref<10000x128xf32, #tpu.memory_space<hbm>>
      tpu.wait_indirect_dma semaphore(%arg11 : memref<!tpu.dma_semaphore, #tpu.memory_space<semaphore_mem>>) src(%dma_wait3A_561 : memref<10000x128xf32, #tpu.memory_space<hbm>>) dst(%dma_wait3A_551 : memref<128x128xf32, #tpu.memory_space<vmem>>)
      %dma_start3A_562 = arith.constant 0 : i32
      %dma_start3A_563 = arith.constant 10 : i32
      %dma_start3A_564 = arith.constant 0 : i32
      %dma_start3A_565 = arith.constant 0 : i32
      %dma_start3A_566 = tpu.memref_slice %arg9[%dma_start3A_562, %dma_start3A_564, %dma_start3A_565] : memref<2x128x128xf32, #tpu.memory_space<vmem>> -> memref<1x128x128xf32, #tpu.memory_space<vmem>>
      %dma_start3A_567 = tpu.memref_squeeze %dma_start3A_566 : memref<1x128x128xf32, #tpu.memory_space<vmem>> -> memref<128x128xf32, #tpu.memory_space<vmem>>
      %dma_start3A_568 = arith.constant 0 : i32
      %dma_start3A_569 = tpu.memref_slice %arg8[%rem3A_29, %dma_start3A_563, %dma_start3A_568] : memref<2x16x128xi32, #tpu.memory_space<vmem>> -> memref<1x1x128xi32, #tpu.memory_space<vmem>>
      %dma_start3A_570 = tpu.memref_squeeze %dma_start3A_569 : memref<1x1x128xi32, #tpu.memory_space<vmem>> -> memref<128xi32, #tpu.memory_space<vmem>>
      %dma_start3A_571 = arith.constant 0 : i32
      %dma_start3A_572 = arith.constant 0 : i32
      %dma_start3A_573 = tpu.memref_slice %arg10[%dma_start3A_571, %dma_start3A_572] : memref<10112x128xf32, #tpu.memory_space<vmem_shared>> -> memref<10112x128xf32, #tpu.memory_space<vmem_shared>>
      tpu.enqueue_indirect_dma source(%dma_start3A_567 : memref<128x128xf32, #tpu.memory_space<vmem>>) target(%dma_start3A_573 : memref<10112x128xf32, #tpu.memory_space<vmem_shared>>) offsets(%dma_start3A_570 : memref<128xi32, #tpu.memory_space<vmem>>) semaphore(%arg13 : memref<!tpu.dma_semaphore, #tpu.memory_space<semaphore_mem>>) {add = true}
      %mul3A_574 = arith.constant 16 : i32
      %mul3A_575 = arith.muli %scan3A_28, %mul3A_574 : i32
      %add3A_576 = arith.constant 11 : i32
      %add3A_577 = arith.addi %mul3A_575, %add3A_576 : i32
      %dma_wait3A_578 = arith.constant 0 : i32
      %dma_wait3A_579 = arith.constant 10 : i32
      %dma_wait3A_580 = arith.constant 0 : i32
      %dma_wait3A_581 = arith.constant 0 : i32
      %dma_wait3A_582 = tpu.memref_slice %arg9[%dma_wait3A_578, %dma_wait3A_580, %dma_wait3A_581] : memref<2x128x128xf32, #tpu.memory_space<vmem>> -> memref<1x128x128xf32, #tpu.memory_space<vmem>>
      %dma_wait3A_583 = tpu.memref_squeeze %dma_wait3A_582 : memref<1x128x128xf32, #tpu.memory_space<vmem>> -> memref<128x128xf32, #tpu.memory_space<vmem>>
      %dma_wait3A_584 = arith.constant 0 : i32
      %dma_wait3A_585 = tpu.memref_slice %arg8[%rem3A_29, %dma_wait3A_579, %dma_wait3A_584] : memref<2x16x128xi32, #tpu.memory_space<vmem>> -> memref<1x1x128xi32, #tpu.memory_space<vmem>>
      %dma_wait3A_586 = tpu.memref_squeeze %dma_wait3A_585 : memref<1x1x128xi32, #tpu.memory_space<vmem>> -> memref<128xi32, #tpu.memory_space<vmem>>
      %dma_wait3A_587 = arith.constant 0 : i32
      %dma_wait3A_588 = arith.constant 0 : i32
      %dma_wait3A_589 = tpu.memref_slice %arg10[%dma_wait3A_587, %dma_wait3A_588] : memref<10112x128xf32, #tpu.memory_space<vmem_shared>> -> memref<10112x128xf32, #tpu.memory_space<vmem_shared>>
      tpu.wait_indirect_dma semaphore(%arg13 : memref<!tpu.dma_semaphore, #tpu.memory_space<semaphore_mem>>) src(%dma_wait3A_583 : memref<128x128xf32, #tpu.memory_space<vmem>>) dst(%dma_wait3A_589 : memref<10112x128xf32, #tpu.memory_space<vmem_shared>>)
      %add3A_590 = arith.constant 1 : i32
      %add3A_591 = arith.addi %add3A_577, %add3A_590 : i32
      %lt3A_592 = arith.constant 80 : i32
      %lt3A_593 = arith.cmpi slt, %add3A_591, %lt3A_592 : i32
      %convert_element_type3A_594 = arith.extui %lt3A_593 : i1 to i32
      %cond3A_595 = arith.constant 0 : i32
      %cond3A_596 = arith.cmpi ne, %convert_element_type3A_594, %cond3A_595 : i32
      scf.if %cond3A_596 {
        %add3A_814 = arith.constant 1 : i32
        %add3A_815 = arith.addi %add3A_577, %add3A_814 : i32
        %dma_start3A_816 = arith.constant 0 : i32
        %dma_start3A_817 = arith.constant 0 : i32
        %dma_start3A_818 = arith.constant 0 : i32
        %dma_start3A_819 = tpu.memref_slice %arg9[%dma_start3A_816, %dma_start3A_817, %dma_start3A_818] : memref<2x128x128xf32, #tpu.memory_space<vmem>> -> memref<1x128x128xf32, #tpu.memory_space<vmem>>
        %dma_start3A_820 = tpu.memref_squeeze %dma_start3A_819 : memref<1x128x128xf32, #tpu.memory_space<vmem>> -> memref<128x128xf32, #tpu.memory_space<vmem>>
        %dma_start3A_821 = arith.constant 0 : i32
        %dma_start3A_822 = tpu.memref_slice %arg7[%add3A_815, %dma_start3A_821] : memref<80x128xi32, #tpu.memory_space<vmem>> -> memref<1x128xi32, #tpu.memory_space<vmem>>
        %dma_start3A_823 = tpu.memref_squeeze %dma_start3A_822 : memref<1x128xi32, #tpu.memory_space<vmem>> -> memref<128xi32, #tpu.memory_space<vmem>>
        %dma_start3A_824 = arith.constant 0 : i32
        %dma_start3A_825 = arith.constant 0 : i32
        %dma_start3A_826 = tpu.memref_slice %arg4[%arg0, %dma_start3A_824, %dma_start3A_825] : memref<2x10000x128xf32, #tpu.memory_space<hbm>> -> memref<1x10000x128xf32, #tpu.memory_space<hbm>>
        %dma_start3A_827 = tpu.memref_squeeze %dma_start3A_826 : memref<1x10000x128xf32, #tpu.memory_space<hbm>> -> memref<10000x128xf32, #tpu.memory_space<hbm>>
        %dma_start3A_828 = arith.constant 0 : i32
        %dma_start3A_829 = arith.constant 0 : i32
        %dma_start3A_830 = tpu.memref_slice %dma_start3A_827[%dma_start3A_828, %dma_start3A_829] : memref<10000x128xf32, #tpu.memory_space<hbm>> -> memref<10000x128xf32, #tpu.memory_space<hbm>>
        tpu.enqueue_indirect_dma source(%dma_start3A_830 : memref<10000x128xf32, #tpu.memory_space<hbm>>) target(%dma_start3A_820 : memref<128x128xf32, #tpu.memory_space<vmem>>) offsets(%dma_start3A_823 : memref<128xi32, #tpu.memory_space<vmem>>) semaphore(%arg11 : memref<!tpu.dma_semaphore, #tpu.memory_space<semaphore_mem>>)
      } else {
      }
      %dma_wait3A_597 = arith.constant 1 : i32
      %dma_wait3A_598 = arith.constant 0 : i32
      %dma_wait3A_599 = arith.constant 0 : i32
      %dma_wait3A_600 = tpu.memref_slice %arg9[%dma_wait3A_597, %dma_wait3A_598, %dma_wait3A_599] : memref<2x128x128xf32, #tpu.memory_space<vmem>> -> memref<1x128x128xf32, #tpu.memory_space<vmem>>
      %dma_wait3A_601 = tpu.memref_squeeze %dma_wait3A_600 : memref<1x128x128xf32, #tpu.memory_space<vmem>> -> memref<128x128xf32, #tpu.memory_space<vmem>>
      %dma_wait3A_602 = arith.constant 0 : i32
      %dma_wait3A_603 = tpu.memref_slice %arg7[%add3A_577, %dma_wait3A_602] : memref<80x128xi32, #tpu.memory_space<vmem>> -> memref<1x128xi32, #tpu.memory_space<vmem>>
      %dma_wait3A_604 = tpu.memref_squeeze %dma_wait3A_603 : memref<1x128xi32, #tpu.memory_space<vmem>> -> memref<128xi32, #tpu.memory_space<vmem>>
      %dma_wait3A_605 = arith.constant 0 : i32
      %dma_wait3A_606 = arith.constant 0 : i32
      %dma_wait3A_607 = tpu.memref_slice %arg4[%arg0, %dma_wait3A_605, %dma_wait3A_606] : memref<2x10000x128xf32, #tpu.memory_space<hbm>> -> memref<1x10000x128xf32, #tpu.memory_space<hbm>>
      %dma_wait3A_608 = tpu.memref_squeeze %dma_wait3A_607 : memref<1x10000x128xf32, #tpu.memory_space<hbm>> -> memref<10000x128xf32, #tpu.memory_space<hbm>>
      %dma_wait3A_609 = arith.constant 0 : i32
      %dma_wait3A_610 = arith.constant 0 : i32
      %dma_wait3A_611 = tpu.memref_slice %dma_wait3A_608[%dma_wait3A_609, %dma_wait3A_610] : memref<10000x128xf32, #tpu.memory_space<hbm>> -> memref<10000x128xf32, #tpu.memory_space<hbm>>
      tpu.wait_indirect_dma semaphore(%arg12 : memref<!tpu.dma_semaphore, #tpu.memory_space<semaphore_mem>>) src(%dma_wait3A_611 : memref<10000x128xf32, #tpu.memory_space<hbm>>) dst(%dma_wait3A_601 : memref<128x128xf32, #tpu.memory_space<vmem>>)
      %dma_start3A_612 = arith.constant 1 : i32
      %dma_start3A_613 = arith.constant 11 : i32
      %dma_start3A_614 = arith.constant 0 : i32
      %dma_start3A_615 = arith.constant 0 : i32
      %dma_start3A_616 = tpu.memref_slice %arg9[%dma_start3A_612, %dma_start3A_614, %dma_start3A_615] : memref<2x128x128xf32, #tpu.memory_space<vmem>> -> memref<1x128x128xf32, #tpu.memory_space<vmem>>
      %dma_start3A_617 = tpu.memref_squeeze %dma_start3A_616 : memref<1x128x128xf32, #tpu.memory_space<vmem>> -> memref<128x128xf32, #tpu.memory_space<vmem>>
      %dma_start3A_618 = arith.constant 0 : i32
      %dma_start3A_619 = tpu.memref_slice %arg8[%rem3A_29, %dma_start3A_613, %dma_start3A_618] : memref<2x16x128xi32, #tpu.memory_space<vmem>> -> memref<1x1x128xi32, #tpu.memory_space<vmem>>
      %dma_start3A_620 = tpu.memref_squeeze %dma_start3A_619 : memref<1x1x128xi32, #tpu.memory_space<vmem>> -> memref<128xi32, #tpu.memory_space<vmem>>
      %dma_start3A_621 = arith.constant 0 : i32
      %dma_start3A_622 = arith.constant 0 : i32
      %dma_start3A_623 = tpu.memref_slice %arg10[%dma_start3A_621, %dma_start3A_622] : memref<10112x128xf32, #tpu.memory_space<vmem_shared>> -> memref<10112x128xf32, #tpu.memory_space<vmem_shared>>
      tpu.enqueue_indirect_dma source(%dma_start3A_617 : memref<128x128xf32, #tpu.memory_space<vmem>>) target(%dma_start3A_623 : memref<10112x128xf32, #tpu.memory_space<vmem_shared>>) offsets(%dma_start3A_620 : memref<128xi32, #tpu.memory_space<vmem>>) semaphore(%arg14 : memref<!tpu.dma_semaphore, #tpu.memory_space<semaphore_mem>>) {add = true}
      %mul3A_624 = arith.constant 16 : i32
      %mul3A_625 = arith.muli %scan3A_28, %mul3A_624 : i32
      %add3A_626 = arith.constant 12 : i32
      %add3A_627 = arith.addi %mul3A_625, %add3A_626 : i32
      %dma_wait3A_628 = arith.constant 1 : i32
      %dma_wait3A_629 = arith.constant 11 : i32
      %dma_wait3A_630 = arith.constant 0 : i32
      %dma_wait3A_631 = arith.constant 0 : i32
      %dma_wait3A_632 = tpu.memref_slice %arg9[%dma_wait3A_628, %dma_wait3A_630, %dma_wait3A_631] : memref<2x128x128xf32, #tpu.memory_space<vmem>> -> memref<1x128x128xf32, #tpu.memory_space<vmem>>
      %dma_wait3A_633 = tpu.memref_squeeze %dma_wait3A_632 : memref<1x128x128xf32, #tpu.memory_space<vmem>> -> memref<128x128xf32, #tpu.memory_space<vmem>>
      %dma_wait3A_634 = arith.constant 0 : i32
      %dma_wait3A_635 = tpu.memref_slice %arg8[%rem3A_29, %dma_wait3A_629, %dma_wait3A_634] : memref<2x16x128xi32, #tpu.memory_space<vmem>> -> memref<1x1x128xi32, #tpu.memory_space<vmem>>
      %dma_wait3A_636 = tpu.memref_squeeze %dma_wait3A_635 : memref<1x1x128xi32, #tpu.memory_space<vmem>> -> memref<128xi32, #tpu.memory_space<vmem>>
      %dma_wait3A_637 = arith.constant 0 : i32
      %dma_wait3A_638 = arith.constant 0 : i32
      %dma_wait3A_639 = tpu.memref_slice %arg10[%dma_wait3A_637, %dma_wait3A_638] : memref<10112x128xf32, #tpu.memory_space<vmem_shared>> -> memref<10112x128xf32, #tpu.memory_space<vmem_shared>>
      tpu.wait_indirect_dma semaphore(%arg14 : memref<!tpu.dma_semaphore, #tpu.memory_space<semaphore_mem>>) src(%dma_wait3A_633 : memref<128x128xf32, #tpu.memory_space<vmem>>) dst(%dma_wait3A_639 : memref<10112x128xf32, #tpu.memory_space<vmem_shared>>)
      %add3A_640 = arith.constant 1 : i32
      %add3A_641 = arith.addi %add3A_627, %add3A_640 : i32
      %lt3A_642 = arith.constant 80 : i32
      %lt3A_643 = arith.cmpi slt, %add3A_641, %lt3A_642 : i32
      %convert_element_type3A_644 = arith.extui %lt3A_643 : i1 to i32
      %cond3A_645 = arith.constant 0 : i32
      %cond3A_646 = arith.cmpi ne, %convert_element_type3A_644, %cond3A_645 : i32
      scf.if %cond3A_646 {
        %add3A_814 = arith.constant 1 : i32
        %add3A_815 = arith.addi %add3A_627, %add3A_814 : i32
        %dma_start3A_816 = arith.constant 1 : i32
        %dma_start3A_817 = arith.constant 0 : i32
        %dma_start3A_818 = arith.constant 0 : i32
        %dma_start3A_819 = tpu.memref_slice %arg9[%dma_start3A_816, %dma_start3A_817, %dma_start3A_818] : memref<2x128x128xf32, #tpu.memory_space<vmem>> -> memref<1x128x128xf32, #tpu.memory_space<vmem>>
        %dma_start3A_820 = tpu.memref_squeeze %dma_start3A_819 : memref<1x128x128xf32, #tpu.memory_space<vmem>> -> memref<128x128xf32, #tpu.memory_space<vmem>>
        %dma_start3A_821 = arith.constant 0 : i32
        %dma_start3A_822 = tpu.memref_slice %arg7[%add3A_815, %dma_start3A_821] : memref<80x128xi32, #tpu.memory_space<vmem>> -> memref<1x128xi32, #tpu.memory_space<vmem>>
        %dma_start3A_823 = tpu.memref_squeeze %dma_start3A_822 : memref<1x128xi32, #tpu.memory_space<vmem>> -> memref<128xi32, #tpu.memory_space<vmem>>
        %dma_start3A_824 = arith.constant 0 : i32
        %dma_start3A_825 = arith.constant 0 : i32
        %dma_start3A_826 = tpu.memref_slice %arg4[%arg0, %dma_start3A_824, %dma_start3A_825] : memref<2x10000x128xf32, #tpu.memory_space<hbm>> -> memref<1x10000x128xf32, #tpu.memory_space<hbm>>
        %dma_start3A_827 = tpu.memref_squeeze %dma_start3A_826 : memref<1x10000x128xf32, #tpu.memory_space<hbm>> -> memref<10000x128xf32, #tpu.memory_space<hbm>>
        %dma_start3A_828 = arith.constant 0 : i32
        %dma_start3A_829 = arith.constant 0 : i32
        %dma_start3A_830 = tpu.memref_slice %dma_start3A_827[%dma_start3A_828, %dma_start3A_829] : memref<10000x128xf32, #tpu.memory_space<hbm>> -> memref<10000x128xf32, #tpu.memory_space<hbm>>
        tpu.enqueue_indirect_dma source(%dma_start3A_830 : memref<10000x128xf32, #tpu.memory_space<hbm>>) target(%dma_start3A_820 : memref<128x128xf32, #tpu.memory_space<vmem>>) offsets(%dma_start3A_823 : memref<128xi32, #tpu.memory_space<vmem>>) semaphore(%arg12 : memref<!tpu.dma_semaphore, #tpu.memory_space<semaphore_mem>>)
      } else {
      }
      %dma_wait3A_647 = arith.constant 0 : i32
      %dma_wait3A_648 = arith.constant 0 : i32
      %dma_wait3A_649 = arith.constant 0 : i32
      %dma_wait3A_650 = tpu.memref_slice %arg9[%dma_wait3A_647, %dma_wait3A_648, %dma_wait3A_649] : memref<2x128x128xf32, #tpu.memory_space<vmem>> -> memref<1x128x128xf32, #tpu.memory_space<vmem>>
      %dma_wait3A_651 = tpu.memref_squeeze %dma_wait3A_650 : memref<1x128x128xf32, #tpu.memory_space<vmem>> -> memref<128x128xf32, #tpu.memory_space<vmem>>
      %dma_wait3A_652 = arith.constant 0 : i32
      %dma_wait3A_653 = tpu.memref_slice %arg7[%add3A_627, %dma_wait3A_652] : memref<80x128xi32, #tpu.memory_space<vmem>> -> memref<1x128xi32, #tpu.memory_space<vmem>>
      %dma_wait3A_654 = tpu.memref_squeeze %dma_wait3A_653 : memref<1x128xi32, #tpu.memory_space<vmem>> -> memref<128xi32, #tpu.memory_space<vmem>>
      %dma_wait3A_655 = arith.constant 0 : i32
      %dma_wait3A_656 = arith.constant 0 : i32
      %dma_wait3A_657 = tpu.memref_slice %arg4[%arg0, %dma_wait3A_655, %dma_wait3A_656] : memref<2x10000x128xf32, #tpu.memory_space<hbm>> -> memref<1x10000x128xf32, #tpu.memory_space<hbm>>
      %dma_wait3A_658 = tpu.memref_squeeze %dma_wait3A_657 : memref<1x10000x128xf32, #tpu.memory_space<hbm>> -> memref<10000x128xf32, #tpu.memory_space<hbm>>
      %dma_wait3A_659 = arith.constant 0 : i32
      %dma_wait3A_660 = arith.constant 0 : i32
      %dma_wait3A_661 = tpu.memref_slice %dma_wait3A_658[%dma_wait3A_659, %dma_wait3A_660] : memref<10000x128xf32, #tpu.memory_space<hbm>> -> memref<10000x128xf32, #tpu.memory_space<hbm>>
      tpu.wait_indirect_dma semaphore(%arg11 : memref<!tpu.dma_semaphore, #tpu.memory_space<semaphore_mem>>) src(%dma_wait3A_661 : memref<10000x128xf32, #tpu.memory_space<hbm>>) dst(%dma_wait3A_651 : memref<128x128xf32, #tpu.memory_space<vmem>>)
      %dma_start3A_662 = arith.constant 0 : i32
      %dma_start3A_663 = arith.constant 12 : i32
      %dma_start3A_664 = arith.constant 0 : i32
      %dma_start3A_665 = arith.constant 0 : i32
      %dma_start3A_666 = tpu.memref_slice %arg9[%dma_start3A_662, %dma_start3A_664, %dma_start3A_665] : memref<2x128x128xf32, #tpu.memory_space<vmem>> -> memref<1x128x128xf32, #tpu.memory_space<vmem>>
      %dma_start3A_667 = tpu.memref_squeeze %dma_start3A_666 : memref<1x128x128xf32, #tpu.memory_space<vmem>> -> memref<128x128xf32, #tpu.memory_space<vmem>>
      %dma_start3A_668 = arith.constant 0 : i32
      %dma_start3A_669 = tpu.memref_slice %arg8[%rem3A_29, %dma_start3A_663, %dma_start3A_668] : memref<2x16x128xi32, #tpu.memory_space<vmem>> -> memref<1x1x128xi32, #tpu.memory_space<vmem>>
      %dma_start3A_670 = tpu.memref_squeeze %dma_start3A_669 : memref<1x1x128xi32, #tpu.memory_space<vmem>> -> memref<128xi32, #tpu.memory_space<vmem>>
      %dma_start3A_671 = arith.constant 0 : i32
      %dma_start3A_672 = arith.constant 0 : i32
      %dma_start3A_673 = tpu.memref_slice %arg10[%dma_start3A_671, %dma_start3A_672] : memref<10112x128xf32, #tpu.memory_space<vmem_shared>> -> memref<10112x128xf32, #tpu.memory_space<vmem_shared>>
      tpu.enqueue_indirect_dma source(%dma_start3A_667 : memref<128x128xf32, #tpu.memory_space<vmem>>) target(%dma_start3A_673 : memref<10112x128xf32, #tpu.memory_space<vmem_shared>>) offsets(%dma_start3A_670 : memref<128xi32, #tpu.memory_space<vmem>>) semaphore(%arg13 : memref<!tpu.dma_semaphore, #tpu.memory_space<semaphore_mem>>) {add = true}
      %mul3A_674 = arith.constant 16 : i32
      %mul3A_675 = arith.muli %scan3A_28, %mul3A_674 : i32
      %add3A_676 = arith.constant 13 : i32
      %add3A_677 = arith.addi %mul3A_675, %add3A_676 : i32
      %dma_wait3A_678 = arith.constant 0 : i32
      %dma_wait3A_679 = arith.constant 12 : i32
      %dma_wait3A_680 = arith.constant 0 : i32
      %dma_wait3A_681 = arith.constant 0 : i32
      %dma_wait3A_682 = tpu.memref_slice %arg9[%dma_wait3A_678, %dma_wait3A_680, %dma_wait3A_681] : memref<2x128x128xf32, #tpu.memory_space<vmem>> -> memref<1x128x128xf32, #tpu.memory_space<vmem>>
      %dma_wait3A_683 = tpu.memref_squeeze %dma_wait3A_682 : memref<1x128x128xf32, #tpu.memory_space<vmem>> -> memref<128x128xf32, #tpu.memory_space<vmem>>
      %dma_wait3A_684 = arith.constant 0 : i32
      %dma_wait3A_685 = tpu.memref_slice %arg8[%rem3A_29, %dma_wait3A_679, %dma_wait3A_684] : memref<2x16x128xi32, #tpu.memory_space<vmem>> -> memref<1x1x128xi32, #tpu.memory_space<vmem>>
      %dma_wait3A_686 = tpu.memref_squeeze %dma_wait3A_685 : memref<1x1x128xi32, #tpu.memory_space<vmem>> -> memref<128xi32, #tpu.memory_space<vmem>>
      %dma_wait3A_687 = arith.constant 0 : i32
      %dma_wait3A_688 = arith.constant 0 : i32
      %dma_wait3A_689 = tpu.memref_slice %arg10[%dma_wait3A_687, %dma_wait3A_688] : memref<10112x128xf32, #tpu.memory_space<vmem_shared>> -> memref<10112x128xf32, #tpu.memory_space<vmem_shared>>
      tpu.wait_indirect_dma semaphore(%arg13 : memref<!tpu.dma_semaphore, #tpu.memory_space<semaphore_mem>>) src(%dma_wait3A_683 : memref<128x128xf32, #tpu.memory_space<vmem>>) dst(%dma_wait3A_689 : memref<10112x128xf32, #tpu.memory_space<vmem_shared>>)
      %add3A_690 = arith.constant 1 : i32
      %add3A_691 = arith.addi %add3A_677, %add3A_690 : i32
      %lt3A_692 = arith.constant 80 : i32
      %lt3A_693 = arith.cmpi slt, %add3A_691, %lt3A_692 : i32
      %convert_element_type3A_694 = arith.extui %lt3A_693 : i1 to i32
      %cond3A_695 = arith.constant 0 : i32
      %cond3A_696 = arith.cmpi ne, %convert_element_type3A_694, %cond3A_695 : i32
      scf.if %cond3A_696 {
        %add3A_814 = arith.constant 1 : i32
        %add3A_815 = arith.addi %add3A_677, %add3A_814 : i32
        %dma_start3A_816 = arith.constant 0 : i32
        %dma_start3A_817 = arith.constant 0 : i32
        %dma_start3A_818 = arith.constant 0 : i32
        %dma_start3A_819 = tpu.memref_slice %arg9[%dma_start3A_816, %dma_start3A_817, %dma_start3A_818] : memref<2x128x128xf32, #tpu.memory_space<vmem>> -> memref<1x128x128xf32, #tpu.memory_space<vmem>>
        %dma_start3A_820 = tpu.memref_squeeze %dma_start3A_819 : memref<1x128x128xf32, #tpu.memory_space<vmem>> -> memref<128x128xf32, #tpu.memory_space<vmem>>
        %dma_start3A_821 = arith.constant 0 : i32
        %dma_start3A_822 = tpu.memref_slice %arg7[%add3A_815, %dma_start3A_821] : memref<80x128xi32, #tpu.memory_space<vmem>> -> memref<1x128xi32, #tpu.memory_space<vmem>>
        %dma_start3A_823 = tpu.memref_squeeze %dma_start3A_822 : memref<1x128xi32, #tpu.memory_space<vmem>> -> memref<128xi32, #tpu.memory_space<vmem>>
        %dma_start3A_824 = arith.constant 0 : i32
        %dma_start3A_825 = arith.constant 0 : i32
        %dma_start3A_826 = tpu.memref_slice %arg4[%arg0, %dma_start3A_824, %dma_start3A_825] : memref<2x10000x128xf32, #tpu.memory_space<hbm>> -> memref<1x10000x128xf32, #tpu.memory_space<hbm>>
        %dma_start3A_827 = tpu.memref_squeeze %dma_start3A_826 : memref<1x10000x128xf32, #tpu.memory_space<hbm>> -> memref<10000x128xf32, #tpu.memory_space<hbm>>
        %dma_start3A_828 = arith.constant 0 : i32
        %dma_start3A_829 = arith.constant 0 : i32
        %dma_start3A_830 = tpu.memref_slice %dma_start3A_827[%dma_start3A_828, %dma_start3A_829] : memref<10000x128xf32, #tpu.memory_space<hbm>> -> memref<10000x128xf32, #tpu.memory_space<hbm>>
        tpu.enqueue_indirect_dma source(%dma_start3A_830 : memref<10000x128xf32, #tpu.memory_space<hbm>>) target(%dma_start3A_820 : memref<128x128xf32, #tpu.memory_space<vmem>>) offsets(%dma_start3A_823 : memref<128xi32, #tpu.memory_space<vmem>>) semaphore(%arg11 : memref<!tpu.dma_semaphore, #tpu.memory_space<semaphore_mem>>)
      } else {
      }
      %dma_wait3A_697 = arith.constant 1 : i32
      %dma_wait3A_698 = arith.constant 0 : i32
      %dma_wait3A_699 = arith.constant 0 : i32
      %dma_wait3A_700 = tpu.memref_slice %arg9[%dma_wait3A_697, %dma_wait3A_698, %dma_wait3A_699] : memref<2x128x128xf32, #tpu.memory_space<vmem>> -> memref<1x128x128xf32, #tpu.memory_space<vmem>>
      %dma_wait3A_701 = tpu.memref_squeeze %dma_wait3A_700 : memref<1x128x128xf32, #tpu.memory_space<vmem>> -> memref<128x128xf32, #tpu.memory_space<vmem>>
      %dma_wait3A_702 = arith.constant 0 : i32
      %dma_wait3A_703 = tpu.memref_slice %arg7[%add3A_677, %dma_wait3A_702] : memref<80x128xi32, #tpu.memory_space<vmem>> -> memref<1x128xi32, #tpu.memory_space<vmem>>
      %dma_wait3A_704 = tpu.memref_squeeze %dma_wait3A_703 : memref<1x128xi32, #tpu.memory_space<vmem>> -> memref<128xi32, #tpu.memory_space<vmem>>
      %dma_wait3A_705 = arith.constant 0 : i32
      %dma_wait3A_706 = arith.constant 0 : i32
      %dma_wait3A_707 = tpu.memref_slice %arg4[%arg0, %dma_wait3A_705, %dma_wait3A_706] : memref<2x10000x128xf32, #tpu.memory_space<hbm>> -> memref<1x10000x128xf32, #tpu.memory_space<hbm>>
      %dma_wait3A_708 = tpu.memref_squeeze %dma_wait3A_707 : memref<1x10000x128xf32, #tpu.memory_space<hbm>> -> memref<10000x128xf32, #tpu.memory_space<hbm>>
      %dma_wait3A_709 = arith.constant 0 : i32
      %dma_wait3A_710 = arith.constant 0 : i32
      %dma_wait3A_711 = tpu.memref_slice %dma_wait3A_708[%dma_wait3A_709, %dma_wait3A_710] : memref<10000x128xf32, #tpu.memory_space<hbm>> -> memref<10000x128xf32, #tpu.memory_space<hbm>>
      tpu.wait_indirect_dma semaphore(%arg12 : memref<!tpu.dma_semaphore, #tpu.memory_space<semaphore_mem>>) src(%dma_wait3A_711 : memref<10000x128xf32, #tpu.memory_space<hbm>>) dst(%dma_wait3A_701 : memref<128x128xf32, #tpu.memory_space<vmem>>)
      %dma_start3A_712 = arith.constant 1 : i32
      %dma_start3A_713 = arith.constant 13 : i32
      %dma_start3A_714 = arith.constant 0 : i32
      %dma_start3A_715 = arith.constant 0 : i32
      %dma_start3A_716 = tpu.memref_slice %arg9[%dma_start3A_712, %dma_start3A_714, %dma_start3A_715] : memref<2x128x128xf32, #tpu.memory_space<vmem>> -> memref<1x128x128xf32, #tpu.memory_space<vmem>>
      %dma_start3A_717 = tpu.memref_squeeze %dma_start3A_716 : memref<1x128x128xf32, #tpu.memory_space<vmem>> -> memref<128x128xf32, #tpu.memory_space<vmem>>
      %dma_start3A_718 = arith.constant 0 : i32
      %dma_start3A_719 = tpu.memref_slice %arg8[%rem3A_29, %dma_start3A_713, %dma_start3A_718] : memref<2x16x128xi32, #tpu.memory_space<vmem>> -> memref<1x1x128xi32, #tpu.memory_space<vmem>>
      %dma_start3A_720 = tpu.memref_squeeze %dma_start3A_719 : memref<1x1x128xi32, #tpu.memory_space<vmem>> -> memref<128xi32, #tpu.memory_space<vmem>>
      %dma_start3A_721 = arith.constant 0 : i32
      %dma_start3A_722 = arith.constant 0 : i32
      %dma_start3A_723 = tpu.memref_slice %arg10[%dma_start3A_721, %dma_start3A_722] : memref<10112x128xf32, #tpu.memory_space<vmem_shared>> -> memref<10112x128xf32, #tpu.memory_space<vmem_shared>>
      tpu.enqueue_indirect_dma source(%dma_start3A_717 : memref<128x128xf32, #tpu.memory_space<vmem>>) target(%dma_start3A_723 : memref<10112x128xf32, #tpu.memory_space<vmem_shared>>) offsets(%dma_start3A_720 : memref<128xi32, #tpu.memory_space<vmem>>) semaphore(%arg14 : memref<!tpu.dma_semaphore, #tpu.memory_space<semaphore_mem>>) {add = true}
      %mul3A_724 = arith.constant 16 : i32
      %mul3A_725 = arith.muli %scan3A_28, %mul3A_724 : i32
      %add3A_726 = arith.constant 14 : i32
      %add3A_727 = arith.addi %mul3A_725, %add3A_726 : i32
      %dma_wait3A_728 = arith.constant 1 : i32
      %dma_wait3A_729 = arith.constant 13 : i32
      %dma_wait3A_730 = arith.constant 0 : i32
      %dma_wait3A_731 = arith.constant 0 : i32
      %dma_wait3A_732 = tpu.memref_slice %arg9[%dma_wait3A_728, %dma_wait3A_730, %dma_wait3A_731] : memref<2x128x128xf32, #tpu.memory_space<vmem>> -> memref<1x128x128xf32, #tpu.memory_space<vmem>>
      %dma_wait3A_733 = tpu.memref_squeeze %dma_wait3A_732 : memref<1x128x128xf32, #tpu.memory_space<vmem>> -> memref<128x128xf32, #tpu.memory_space<vmem>>
      %dma_wait3A_734 = arith.constant 0 : i32
      %dma_wait3A_735 = tpu.memref_slice %arg8[%rem3A_29, %dma_wait3A_729, %dma_wait3A_734] : memref<2x16x128xi32, #tpu.memory_space<vmem>> -> memref<1x1x128xi32, #tpu.memory_space<vmem>>
      %dma_wait3A_736 = tpu.memref_squeeze %dma_wait3A_735 : memref<1x1x128xi32, #tpu.memory_space<vmem>> -> memref<128xi32, #tpu.memory_space<vmem>>
      %dma_wait3A_737 = arith.constant 0 : i32
      %dma_wait3A_738 = arith.constant 0 : i32
      %dma_wait3A_739 = tpu.memref_slice %arg10[%dma_wait3A_737, %dma_wait3A_738] : memref<10112x128xf32, #tpu.memory_space<vmem_shared>> -> memref<10112x128xf32, #tpu.memory_space<vmem_shared>>
      tpu.wait_indirect_dma semaphore(%arg14 : memref<!tpu.dma_semaphore, #tpu.memory_space<semaphore_mem>>) src(%dma_wait3A_733 : memref<128x128xf32, #tpu.memory_space<vmem>>) dst(%dma_wait3A_739 : memref<10112x128xf32, #tpu.memory_space<vmem_shared>>)
      %add3A_740 = arith.constant 1 : i32
      %add3A_741 = arith.addi %add3A_727, %add3A_740 : i32
      %lt3A_742 = arith.constant 80 : i32
      %lt3A_743 = arith.cmpi slt, %add3A_741, %lt3A_742 : i32
      %convert_element_type3A_744 = arith.extui %lt3A_743 : i1 to i32
      %cond3A_745 = arith.constant 0 : i32
      %cond3A_746 = arith.cmpi ne, %convert_element_type3A_744, %cond3A_745 : i32
      scf.if %cond3A_746 {
        %add3A_814 = arith.constant 1 : i32
        %add3A_815 = arith.addi %add3A_727, %add3A_814 : i32
        %dma_start3A_816 = arith.constant 1 : i32
        %dma_start3A_817 = arith.constant 0 : i32
        %dma_start3A_818 = arith.constant 0 : i32
        %dma_start3A_819 = tpu.memref_slice %arg9[%dma_start3A_816, %dma_start3A_817, %dma_start3A_818] : memref<2x128x128xf32, #tpu.memory_space<vmem>> -> memref<1x128x128xf32, #tpu.memory_space<vmem>>
        %dma_start3A_820 = tpu.memref_squeeze %dma_start3A_819 : memref<1x128x128xf32, #tpu.memory_space<vmem>> -> memref<128x128xf32, #tpu.memory_space<vmem>>
        %dma_start3A_821 = arith.constant 0 : i32
        %dma_start3A_822 = tpu.memref_slice %arg7[%add3A_815, %dma_start3A_821] : memref<80x128xi32, #tpu.memory_space<vmem>> -> memref<1x128xi32, #tpu.memory_space<vmem>>
        %dma_start3A_823 = tpu.memref_squeeze %dma_start3A_822 : memref<1x128xi32, #tpu.memory_space<vmem>> -> memref<128xi32, #tpu.memory_space<vmem>>
        %dma_start3A_824 = arith.constant 0 : i32
        %dma_start3A_825 = arith.constant 0 : i32
        %dma_start3A_826 = tpu.memref_slice %arg4[%arg0, %dma_start3A_824, %dma_start3A_825] : memref<2x10000x128xf32, #tpu.memory_space<hbm>> -> memref<1x10000x128xf32, #tpu.memory_space<hbm>>
        %dma_start3A_827 = tpu.memref_squeeze %dma_start3A_826 : memref<1x10000x128xf32, #tpu.memory_space<hbm>> -> memref<10000x128xf32, #tpu.memory_space<hbm>>
        %dma_start3A_828 = arith.constant 0 : i32
        %dma_start3A_829 = arith.constant 0 : i32
        %dma_start3A_830 = tpu.memref_slice %dma_start3A_827[%dma_start3A_828, %dma_start3A_829] : memref<10000x128xf32, #tpu.memory_space<hbm>> -> memref<10000x128xf32, #tpu.memory_space<hbm>>
        tpu.enqueue_indirect_dma source(%dma_start3A_830 : memref<10000x128xf32, #tpu.memory_space<hbm>>) target(%dma_start3A_820 : memref<128x128xf32, #tpu.memory_space<vmem>>) offsets(%dma_start3A_823 : memref<128xi32, #tpu.memory_space<vmem>>) semaphore(%arg12 : memref<!tpu.dma_semaphore, #tpu.memory_space<semaphore_mem>>)
      } else {
      }
      %dma_wait3A_747 = arith.constant 0 : i32
      %dma_wait3A_748 = arith.constant 0 : i32
      %dma_wait3A_749 = arith.constant 0 : i32
      %dma_wait3A_750 = tpu.memref_slice %arg9[%dma_wait3A_747, %dma_wait3A_748, %dma_wait3A_749] : memref<2x128x128xf32, #tpu.memory_space<vmem>> -> memref<1x128x128xf32, #tpu.memory_space<vmem>>
      %dma_wait3A_751 = tpu.memref_squeeze %dma_wait3A_750 : memref<1x128x128xf32, #tpu.memory_space<vmem>> -> memref<128x128xf32, #tpu.memory_space<vmem>>
      %dma_wait3A_752 = arith.constant 0 : i32
      %dma_wait3A_753 = tpu.memref_slice %arg7[%add3A_727, %dma_wait3A_752] : memref<80x128xi32, #tpu.memory_space<vmem>> -> memref<1x128xi32, #tpu.memory_space<vmem>>
      %dma_wait3A_754 = tpu.memref_squeeze %dma_wait3A_753 : memref<1x128xi32, #tpu.memory_space<vmem>> -> memref<128xi32, #tpu.memory_space<vmem>>
      %dma_wait3A_755 = arith.constant 0 : i32
      %dma_wait3A_756 = arith.constant 0 : i32
      %dma_wait3A_757 = tpu.memref_slice %arg4[%arg0, %dma_wait3A_755, %dma_wait3A_756] : memref<2x10000x128xf32, #tpu.memory_space<hbm>> -> memref<1x10000x128xf32, #tpu.memory_space<hbm>>
      %dma_wait3A_758 = tpu.memref_squeeze %dma_wait3A_757 : memref<1x10000x128xf32, #tpu.memory_space<hbm>> -> memref<10000x128xf32, #tpu.memory_space<hbm>>
      %dma_wait3A_759 = arith.constant 0 : i32
      %dma_wait3A_760 = arith.constant 0 : i32
      %dma_wait3A_761 = tpu.memref_slice %dma_wait3A_758[%dma_wait3A_759, %dma_wait3A_760] : memref<10000x128xf32, #tpu.memory_space<hbm>> -> memref<10000x128xf32, #tpu.memory_space<hbm>>
      tpu.wait_indirect_dma semaphore(%arg11 : memref<!tpu.dma_semaphore, #tpu.memory_space<semaphore_mem>>) src(%dma_wait3A_761 : memref<10000x128xf32, #tpu.memory_space<hbm>>) dst(%dma_wait3A_751 : memref<128x128xf32, #tpu.memory_space<vmem>>)
      %dma_start3A_762 = arith.constant 0 : i32
      %dma_start3A_763 = arith.constant 14 : i32
      %dma_start3A_764 = arith.constant 0 : i32
      %dma_start3A_765 = arith.constant 0 : i32
      %dma_start3A_766 = tpu.memref_slice %arg9[%dma_start3A_762, %dma_start3A_764, %dma_start3A_765] : memref<2x128x128xf32, #tpu.memory_space<vmem>> -> memref<1x128x128xf32, #tpu.memory_space<vmem>>
      %dma_start3A_767 = tpu.memref_squeeze %dma_start3A_766 : memref<1x128x128xf32, #tpu.memory_space<vmem>> -> memref<128x128xf32, #tpu.memory_space<vmem>>
      %dma_start3A_768 = arith.constant 0 : i32
      %dma_start3A_769 = tpu.memref_slice %arg8[%rem3A_29, %dma_start3A_763, %dma_start3A_768] : memref<2x16x128xi32, #tpu.memory_space<vmem>> -> memref<1x1x128xi32, #tpu.memory_space<vmem>>
      %dma_start3A_770 = tpu.memref_squeeze %dma_start3A_769 : memref<1x1x128xi32, #tpu.memory_space<vmem>> -> memref<128xi32, #tpu.memory_space<vmem>>
      %dma_start3A_771 = arith.constant 0 : i32
      %dma_start3A_772 = arith.constant 0 : i32
      %dma_start3A_773 = tpu.memref_slice %arg10[%dma_start3A_771, %dma_start3A_772] : memref<10112x128xf32, #tpu.memory_space<vmem_shared>> -> memref<10112x128xf32, #tpu.memory_space<vmem_shared>>
      tpu.enqueue_indirect_dma source(%dma_start3A_767 : memref<128x128xf32, #tpu.memory_space<vmem>>) target(%dma_start3A_773 : memref<10112x128xf32, #tpu.memory_space<vmem_shared>>) offsets(%dma_start3A_770 : memref<128xi32, #tpu.memory_space<vmem>>) semaphore(%arg13 : memref<!tpu.dma_semaphore, #tpu.memory_space<semaphore_mem>>) {add = true}
      %mul3A_774 = arith.constant 16 : i32
      %mul3A_775 = arith.muli %scan3A_28, %mul3A_774 : i32
      %add3A_776 = arith.constant 15 : i32
      %add3A_777 = arith.addi %mul3A_775, %add3A_776 : i32
      %dma_wait3A_778 = arith.constant 0 : i32
      %dma_wait3A_779 = arith.constant 14 : i32
      %dma_wait3A_780 = arith.constant 0 : i32
      %dma_wait3A_781 = arith.constant 0 : i32
      %dma_wait3A_782 = tpu.memref_slice %arg9[%dma_wait3A_778, %dma_wait3A_780, %dma_wait3A_781] : memref<2x128x128xf32, #tpu.memory_space<vmem>> -> memref<1x128x128xf32, #tpu.memory_space<vmem>>
      %dma_wait3A_783 = tpu.memref_squeeze %dma_wait3A_782 : memref<1x128x128xf32, #tpu.memory_space<vmem>> -> memref<128x128xf32, #tpu.memory_space<vmem>>
      %dma_wait3A_784 = arith.constant 0 : i32
      %dma_wait3A_785 = tpu.memref_slice %arg8[%rem3A_29, %dma_wait3A_779, %dma_wait3A_784] : memref<2x16x128xi32, #tpu.memory_space<vmem>> -> memref<1x1x128xi32, #tpu.memory_space<vmem>>
      %dma_wait3A_786 = tpu.memref_squeeze %dma_wait3A_785 : memref<1x1x128xi32, #tpu.memory_space<vmem>> -> memref<128xi32, #tpu.memory_space<vmem>>
      %dma_wait3A_787 = arith.constant 0 : i32
      %dma_wait3A_788 = arith.constant 0 : i32
      %dma_wait3A_789 = tpu.memref_slice %arg10[%dma_wait3A_787, %dma_wait3A_788] : memref<10112x128xf32, #tpu.memory_space<vmem_shared>> -> memref<10112x128xf32, #tpu.memory_space<vmem_shared>>
      tpu.wait_indirect_dma semaphore(%arg13 : memref<!tpu.dma_semaphore, #tpu.memory_space<semaphore_mem>>) src(%dma_wait3A_783 : memref<128x128xf32, #tpu.memory_space<vmem>>) dst(%dma_wait3A_789 : memref<10112x128xf32, #tpu.memory_space<vmem_shared>>)
      %add3A_790 = arith.constant 1 : i32
      %add3A_791 = arith.addi %add3A_777, %add3A_790 : i32
      %lt3A_792 = arith.constant 80 : i32
      %lt3A_793 = arith.cmpi slt, %add3A_791, %lt3A_792 : i32
      %convert_element_type3A_794 = arith.extui %lt3A_793 : i1 to i32
      %cond3A_795 = arith.constant 0 : i32
      %cond3A_796 = arith.cmpi ne, %convert_element_type3A_794, %cond3A_795 : i32
      scf.if %cond3A_796 {
        %add3A_814 = arith.constant 1 : i32
        %add3A_815 = arith.addi %add3A_777, %add3A_814 : i32
        %dma_start3A_816 = arith.constant 0 : i32
        %dma_start3A_817 = arith.constant 0 : i32
        %dma_start3A_818 = arith.constant 0 : i32
        %dma_start3A_819 = tpu.memref_slice %arg9[%dma_start3A_816, %dma_start3A_817, %dma_start3A_818] : memref<2x128x128xf32, #tpu.memory_space<vmem>> -> memref<1x128x128xf32, #tpu.memory_space<vmem>>
        %dma_start3A_820 = tpu.memref_squeeze %dma_start3A_819 : memref<1x128x128xf32, #tpu.memory_space<vmem>> -> memref<128x128xf32, #tpu.memory_space<vmem>>
        %dma_start3A_821 = arith.constant 0 : i32
        %dma_start3A_822 = tpu.memref_slice %arg7[%add3A_815, %dma_start3A_821] : memref<80x128xi32, #tpu.memory_space<vmem>> -> memref<1x128xi32, #tpu.memory_space<vmem>>
        %dma_start3A_823 = tpu.memref_squeeze %dma_start3A_822 : memref<1x128xi32, #tpu.memory_space<vmem>> -> memref<128xi32, #tpu.memory_space<vmem>>
        %dma_start3A_824 = arith.constant 0 : i32
        %dma_start3A_825 = arith.constant 0 : i32
        %dma_start3A_826 = tpu.memref_slice %arg4[%arg0, %dma_start3A_824, %dma_start3A_825] : memref<2x10000x128xf32, #tpu.memory_space<hbm>> -> memref<1x10000x128xf32, #tpu.memory_space<hbm>>
        %dma_start3A_827 = tpu.memref_squeeze %dma_start3A_826 : memref<1x10000x128xf32, #tpu.memory_space<hbm>> -> memref<10000x128xf32, #tpu.memory_space<hbm>>
        %dma_start3A_828 = arith.constant 0 : i32
        %dma_start3A_829 = arith.constant 0 : i32
        %dma_start3A_830 = tpu.memref_slice %dma_start3A_827[%dma_start3A_828, %dma_start3A_829] : memref<10000x128xf32, #tpu.memory_space<hbm>> -> memref<10000x128xf32, #tpu.memory_space<hbm>>
        tpu.enqueue_indirect_dma source(%dma_start3A_830 : memref<10000x128xf32, #tpu.memory_space<hbm>>) target(%dma_start3A_820 : memref<128x128xf32, #tpu.memory_space<vmem>>) offsets(%dma_start3A_823 : memref<128xi32, #tpu.memory_space<vmem>>) semaphore(%arg11 : memref<!tpu.dma_semaphore, #tpu.memory_space<semaphore_mem>>)
      } else {
      }
      %dma_wait3A_797 = arith.constant 1 : i32
      %dma_wait3A_798 = arith.constant 0 : i32
      %dma_wait3A_799 = arith.constant 0 : i32
      %dma_wait3A_800 = tpu.memref_slice %arg9[%dma_wait3A_797, %dma_wait3A_798, %dma_wait3A_799] : memref<2x128x128xf32, #tpu.memory_space<vmem>> -> memref<1x128x128xf32, #tpu.memory_space<vmem>>
      %dma_wait3A_801 = tpu.memref_squeeze %dma_wait3A_800 : memref<1x128x128xf32, #tpu.memory_space<vmem>> -> memref<128x128xf32, #tpu.memory_space<vmem>>
      %dma_wait3A_802 = arith.constant 0 : i32
      %dma_wait3A_803 = tpu.memref_slice %arg7[%add3A_777, %dma_wait3A_802] : memref<80x128xi32, #tpu.memory_space<vmem>> -> memref<1x128xi32, #tpu.memory_space<vmem>>
      %dma_wait3A_804 = tpu.memref_squeeze %dma_wait3A_803 : memref<1x128xi32, #tpu.memory_space<vmem>> -> memref<128xi32, #tpu.memory_space<vmem>>
      %dma_wait3A_805 = arith.constant 0 : i32
      %dma_wait3A_806 = arith.constant 0 : i32
      %dma_wait3A_807 = tpu.memref_slice %arg4[%arg0, %dma_wait3A_805, %dma_wait3A_806] : memref<2x10000x128xf32, #tpu.memory_space<hbm>> -> memref<1x10000x128xf32, #tpu.memory_space<hbm>>
      %dma_wait3A_808 = tpu.memref_squeeze %dma_wait3A_807 : memref<1x10000x128xf32, #tpu.memory_space<hbm>> -> memref<10000x128xf32, #tpu.memory_space<hbm>>
      %dma_wait3A_809 = arith.constant 0 : i32
      %dma_wait3A_810 = arith.constant 0 : i32
      %dma_wait3A_811 = tpu.memref_slice %dma_wait3A_808[%dma_wait3A_809, %dma_wait3A_810] : memref<10000x128xf32, #tpu.memory_space<hbm>> -> memref<10000x128xf32, #tpu.memory_space<hbm>>
      tpu.wait_indirect_dma semaphore(%arg12 : memref<!tpu.dma_semaphore, #tpu.memory_space<semaphore_mem>>) src(%dma_wait3A_811 : memref<10000x128xf32, #tpu.memory_space<hbm>>) dst(%dma_wait3A_801 : memref<128x128xf32, #tpu.memory_space<vmem>>)
      %run_scoped3A_812 = arith.constant 1 : i32
      %run_scoped3A_813 = arith.constant 15 : i32
      "tpu.region"() ({
        %run_scoped3A_814 = tpu.sem_alloc : memref<!tpu.dma_semaphore, #tpu.memory_space<semaphore_mem>>
        %dma_start3A_815 = arith.constant 0 : i32
        %dma_start3A_816 = arith.constant 0 : i32
        %dma_start3A_817 = tpu.memref_slice %arg9[%run_scoped3A_812, %dma_start3A_815, %dma_start3A_816] : memref<2x128x128xf32, #tpu.memory_space<vmem>> -> memref<1x128x128xf32, #tpu.memory_space<vmem>>
        %dma_start3A_818 = tpu.memref_squeeze %dma_start3A_817 : memref<1x128x128xf32, #tpu.memory_space<vmem>> -> memref<128x128xf32, #tpu.memory_space<vmem>>
        %dma_start3A_819 = arith.constant 0 : i32
        %dma_start3A_820 = tpu.memref_slice %arg8[%rem3A_29, %run_scoped3A_813, %dma_start3A_819] : memref<2x16x128xi32, #tpu.memory_space<vmem>> -> memref<1x1x128xi32, #tpu.memory_space<vmem>>
        %dma_start3A_821 = tpu.memref_squeeze %dma_start3A_820 : memref<1x1x128xi32, #tpu.memory_space<vmem>> -> memref<128xi32, #tpu.memory_space<vmem>>
        %dma_start3A_822 = arith.constant 0 : i32
        %dma_start3A_823 = arith.constant 0 : i32
        %dma_start3A_824 = tpu.memref_slice %arg10[%dma_start3A_822, %dma_start3A_823] : memref<10112x128xf32, #tpu.memory_space<vmem_shared>> -> memref<10112x128xf32, #tpu.memory_space<vmem_shared>>
        tpu.enqueue_indirect_dma source(%dma_start3A_818 : memref<128x128xf32, #tpu.memory_space<vmem>>) target(%dma_start3A_824 : memref<10112x128xf32, #tpu.memory_space<vmem_shared>>) offsets(%dma_start3A_821 : memref<128xi32, #tpu.memory_space<vmem>>) semaphore(%run_scoped3A_814 : memref<!tpu.dma_semaphore, #tpu.memory_space<semaphore_mem>>) {add = true}
        %dma_wait3A_825 = arith.constant 0 : i32
        %dma_wait3A_826 = arith.constant 0 : i32
        %dma_wait3A_827 = tpu.memref_slice %arg9[%run_scoped3A_812, %dma_wait3A_825, %dma_wait3A_826] : memref<2x128x128xf32, #tpu.memory_space<vmem>> -> memref<1x128x128xf32, #tpu.memory_space<vmem>>
        %dma_wait3A_828 = tpu.memref_squeeze %dma_wait3A_827 : memref<1x128x128xf32, #tpu.memory_space<vmem>> -> memref<128x128xf32, #tpu.memory_space<vmem>>
        %dma_wait3A_829 = arith.constant 0 : i32
        %dma_wait3A_830 = tpu.memref_slice %arg8[%rem3A_29, %run_scoped3A_813, %dma_wait3A_829] : memref<2x16x128xi32, #tpu.memory_space<vmem>> -> memref<1x1x128xi32, #tpu.memory_space<vmem>>
        %dma_wait3A_831 = tpu.memref_squeeze %dma_wait3A_830 : memref<1x1x128xi32, #tpu.memory_space<vmem>> -> memref<128xi32, #tpu.memory_space<vmem>>
        %dma_wait3A_832 = arith.constant 0 : i32
        %dma_wait3A_833 = arith.constant 0 : i32
        %dma_wait3A_834 = tpu.memref_slice %arg10[%dma_wait3A_832, %dma_wait3A_833] : memref<10112x128xf32, #tpu.memory_space<vmem_shared>> -> memref<10112x128xf32, #tpu.memory_space<vmem_shared>>
        tpu.wait_indirect_dma semaphore(%run_scoped3A_814 : memref<!tpu.dma_semaphore, #tpu.memory_space<semaphore_mem>>) src(%dma_wait3A_828 : memref<128x128xf32, #tpu.memory_space<vmem>>) dst(%dma_wait3A_834 : memref<10112x128xf32, #tpu.memory_space<vmem_shared>>)
        tpu.yield
      }) : () -> ()
    }
    %scan3A_22 = arith.constant 5 : i32
    %barrier3A_23 = arith.constant 0 : index
    tpu.barrier barrier_id(%barrier3A_23)
    %mul3A_24 = arith.constant 632 : i32
    %mul3A_25 = arith.muli %arg1, %mul3A_24 : i32
    %mul3A_26 = arith.constant 632 : i32
    %mul3A_27 = arith.muli %arg1, %mul3A_26 : i32
    "tpu.region"() ({
      %run_scoped3A_28 = tpu.sem_alloc : memref<!tpu.dma_semaphore, #tpu.memory_space<semaphore_mem>>
      %dma_start3A_29 = arith.constant 0 : i32
      %dma_start3A_30 = arith.constant 0 : i32
      %dma_start3A_31 = tpu.memref_slice %arg6[%arg0, %dma_start3A_29, %dma_start3A_30] : memref<2x10112x128xf32, #tpu.memory_space<hbm>> -> memref<1x10112x128xf32, #tpu.memory_space<hbm>>
      %dma_start3A_32 = tpu.memref_squeeze %dma_start3A_31 : memref<1x10112x128xf32, #tpu.memory_space<hbm>> -> memref<10112x128xf32, #tpu.memory_space<hbm>>
      %dma_start3A_33 = arith.constant 0 : i32
      %dma_start3A_34 = tpu.memref_slice %dma_start3A_32[%mul3A_27, %dma_start3A_33] : memref<10112x128xf32, #tpu.memory_space<hbm>> -> memref<632x128xf32, #tpu.memory_space<hbm>>
      %dma_start3A_35 = arith.constant 0 : i32
      %dma_start3A_36 = tpu.memref_slice %arg10[%mul3A_25, %dma_start3A_35] : memref<10112x128xf32, #tpu.memory_space<vmem_shared>> -> memref<632x128xf32, #tpu.memory_space<vmem_shared>>
      tpu.enqueue_dma source(%dma_start3A_36 : memref<632x128xf32, #tpu.memory_space<vmem_shared>>) target(%dma_start3A_34 : memref<632x128xf32, #tpu.memory_space<hbm>>) target_semaphore(%run_scoped3A_28 : memref<!tpu.dma_semaphore, #tpu.memory_space<semaphore_mem>>)
      %dma_wait3A = arith.constant 0 : i32
      %dma_wait3A_37 = arith.constant 0 : i32
      %dma_wait3A_38 = tpu.memref_slice %arg6[%arg0, %dma_wait3A, %dma_wait3A_37] : memref<2x10112x128xf32, #tpu.memory_space<hbm>> -> memref<1x10112x128xf32, #tpu.memory_space<hbm>>
      %dma_wait3A_39 = tpu.memref_squeeze %dma_wait3A_38 : memref<1x10112x128xf32, #tpu.memory_space<hbm>> -> memref<10112x128xf32, #tpu.memory_space<hbm>>
      %dma_wait3A_40 = arith.constant 0 : i32
      %dma_wait3A_41 = tpu.memref_slice %dma_wait3A_39[%mul3A_27, %dma_wait3A_40] : memref<10112x128xf32, #tpu.memory_space<hbm>> -> memref<632x128xf32, #tpu.memory_space<hbm>>
      %dma_wait3A_42 = arith.constant 0 : i32
      %dma_wait3A_43 = tpu.memref_slice %arg10[%mul3A_25, %dma_wait3A_42] : memref<10112x128xf32, #tpu.memory_space<vmem_shared>> -> memref<632x128xf32, #tpu.memory_space<vmem_shared>>
      tpu.wait_dma2 semaphore(%run_scoped3A_28 : memref<!tpu.dma_semaphore, #tpu.memory_space<semaphore_mem>>) src(%dma_wait3A_43 : memref<632x128xf32, #tpu.memory_space<vmem_shared>>) dst(%dma_wait3A_41 : memref<632x128xf32, #tpu.memory_space<hbm>>)
      tpu.yield
    }) : () -> ()
    return
  }
}

module attributes {stable_mosaic.version = 14 : i64} {
  func.func @body(%arg0: i32, %arg1: memref<2000x256xf32, #tpu.memory_space<vmem>>, %arg2: memref<256x256xf32, #tpu.memory_space<vmem>>, %arg3: memref<2x2000x128xf32, #tpu.memory_space<vmem>>) attributes {dimension_semantics = [#tpu.dimension_semantics<arbitrary>], iteration_bounds = array<i64: 5>, scalar_prefetch = 0 : i64, scratch_operands = 0 : i64, tpu.core_type = #tpu.core_type<tc>, window_params = [{transform_indices = @transform_0, window_bounds = array<i64: 2000, 256>}, {pipeline_mode = #tpu.pipeline_mode<synchronous>, transform_indices = @transform_1, window_bounds = array<i64: 256, 256>}, {transform_indices = @transform_2, window_bounds = array<i64: 2, 2000, 128>}]} {
    %get3A = arith.constant 0 : index
    %get3A_0 = arith.constant 0 : index
    %get3A_1 = vector.load %arg1[%get3A, %get3A_0] : memref<2000x256xf32, #tpu.memory_space<vmem>>, vector<2000x256xf32>
    %get3A_2 = arith.constant 0 : index
    %get3A_3 = arith.constant 0 : index
    %get3A_4 = vector.load %arg2[%get3A_2, %get3A_3] : memref<256x256xf32, #tpu.memory_space<vmem>>, vector<256x256xf32>
    %dot_general3A = arith.constant dense<0.000000e+00> : vector<2000x256xf32>
    %dot_general3A_5 = tpu.matmul %get3A_1, %get3A_4, %dot_general3A {dimension_numbers = #tpu.dot_dimension_numbers<[1], [0], [0], [1], [0, 0, 1, 1], [], []>, transpose_lhs_hint = false} : vector<2000x256xf32>, vector<256x256xf32>, vector<2000x256xf32> -> vector<2000x256xf32>
    %slice3A = vector.extract_strided_slice %dot_general3A_5 {offsets = [0, 0], sizes = [2000, 128], strides = [1, 1]} : vector<2000x256xf32> to vector<2000x128xf32>
    %swap3A = arith.constant 0 : index
    %swap3A_6 = arith.constant 0 : index
    %swap3A_7 = arith.constant 0 : index
    %swap3A_8 = vector.load %arg3[%swap3A, %swap3A_6, %swap3A_7] : memref<2x2000x128xf32, #tpu.memory_space<vmem>>, vector<1x2000x128xf32>
    %swap3A_9 = vector.shape_cast %swap3A_8 : vector<1x2000x128xf32> to vector<2000x128xf32>
    %swap3A_10 = vector.shape_cast %slice3A : vector<2000x128xf32> to vector<1x2000x128xf32>
    tpu.vector_store %arg3[%swap3A, %swap3A_6, %swap3A_7], %swap3A_10 {strides = array<i32>} : memref<2x2000x128xf32, #tpu.memory_space<vmem>>, vector<1x2000x128xf32>,
    %slice3A_11 = vector.extract_strided_slice %dot_general3A_5 {offsets = [0, 128], sizes = [2000, 128], strides = [1, 1]} : vector<2000x256xf32> to vector<2000x128xf32>
    %swap3A_12 = arith.constant 1 : index
    %swap3A_13 = arith.constant 0 : index
    %swap3A_14 = arith.constant 0 : index
    %swap3A_15 = vector.load %arg3[%swap3A_12, %swap3A_13, %swap3A_14] : memref<2x2000x128xf32, #tpu.memory_space<vmem>>, vector<1x2000x128xf32>
    %swap3A_16 = vector.shape_cast %swap3A_15 : vector<1x2000x128xf32> to vector<2000x128xf32>
    %swap3A_17 = vector.shape_cast %slice3A_11 : vector<2000x128xf32> to vector<1x2000x128xf32>
    tpu.vector_store %arg3[%swap3A_12, %swap3A_13, %swap3A_14], %swap3A_17 {strides = array<i32>} : memref<2x2000x128xf32, #tpu.memory_space<vmem>>, vector<1x2000x128xf32>,
    return
  }
  func.func @transform_0(%arg0: i32) -> (i32, i32) {
    %c0_i32 = arith.constant 0 : i32
    %c0_i32_0 = arith.constant 0 : i32
    return %arg0, %c0_i32 : i32, i32
  }
  func.func @transform_1(%arg0: i32) -> (i32, i32) {
    %c0_i32 = arith.constant 0 : i32
    %c0_i32_0 = arith.constant 0 : i32
    %c0_i32_1 = arith.constant 0 : i32
    return %c0_i32, %c0_i32_0 : i32, i32
  }
  func.func @transform_2(%arg0: i32) -> (i32, i32, i32) {
    %c0_i32 = arith.constant 0 : i32
    %c0_i32_0 = arith.constant 0 : i32
    %c0_i32_1 = arith.constant 0 : i32
    return %c0_i32, %arg0, %c0_i32_0 : i32, i32, i32
  }
}

module attributes {stable_mosaic.version = 14 : i64} {
  func.func @body(%arg0: i32, %arg1: memref<2x128x128xi32, #tpu.memory_space<vmem>>, %arg2: memref<128x128xi32, #tpu.memory_space<vmem>>, %arg3: memref<128x128xi32, #tpu.memory_space<vmem>>) attributes {dimension_semantics = [#tpu.dimension_semantics<arbitrary>], iteration_bounds = array<i64: 10>, scalar_prefetch = 0 : i64, scratch_operands = 0 : i64, tpu.core_type = #tpu.core_type<tc>, window_params = [{transform_indices = @transform_0, window_bounds = array<i64: 2, 128, 128>}, {transform_indices = @transform_1, window_bounds = array<i64: 128, 128>}, {transform_indices = @transform_2, window_bounds = array<i64: 128, 128>}]} {
    %mul3A = arith.constant 16384 : i32
    %mul3A_0 = arith.muli %arg0, %mul3A : i32
    %iota3A = tpu.iota {dimensions = array<i32: 0>} : vector<128x128xi32>
    %mul3A_1 = arith.constant 128 : i32
    %mul3A_2 = vector.broadcast %mul3A_1 : i32 to vector<128x128xi32>
    %mul3A_3 = arith.muli %iota3A, %mul3A_2 : vector<128x128xi32>
    %add3A = vector.broadcast %mul3A_0 : i32 to vector<128x128xi32>
    %add3A_4 = arith.addi %add3A, %mul3A_3 : vector<128x128xi32>
    %iota3A_5 = tpu.iota {dimensions = array<i32: 1>} : vector<128x128xi32>
    %add3A_6 = arith.addi %add3A_4, %iota3A_5 : vector<128x128xi32>
    %lt3A = arith.constant 160000 : i32
    %lt3A_7 = vector.broadcast %lt3A : i32 to vector<128x128xi32>
    %lt3A_8 = arith.cmpi slt, %add3A_6, %lt3A_7 : vector<128x128xi32>
    %get3A = arith.constant 0 : index
    %get3A_9 = arith.constant 0 : index
    %get3A_10 = arith.constant 0 : index
    %get3A_11 = vector.load %arg1[%get3A, %get3A_9, %get3A_10] : memref<2x128x128xi32, #tpu.memory_space<vmem>>, vector<1x128x128xi32>
    %get3A_12 = vector.shape_cast %get3A_11 : vector<1x128x128xi32> to vector<128x128xi32>
    %mul3A_13 = arith.constant 97 : i32
    %mul3A_14 = vector.broadcast %mul3A_13 : i32 to vector<128x128xi32>
    %mul3A_15 = arith.muli %add3A_6, %mul3A_14 : vector<128x128xi32>
    %jit3A = arith.constant 10000 : i32
    %eq3A = arith.constant 0 : i32
    %eq3A_16 = arith.cmpi eq, %jit3A, %eq3A : i32
    %jit3A_17 = arith.constant 1 : i32
    %select_n3A = arith.select %eq3A_16, %jit3A_17, %jit3A : i32
    %rem3A = vector.broadcast %select_n3A : i32 to vector<128x128xi32>
    %rem3A_18 = arith.remsi %mul3A_15, %rem3A : vector<128x128xi32>
    %ne3A = arith.constant 0 : i32
    %ne3A_19 = vector.broadcast %ne3A : i32 to vector<128x128xi32>
    %ne3A_20 = arith.cmpi ne, %rem3A_18, %ne3A_19 : vector<128x128xi32>
    %lt3A_21 = arith.constant 0 : i32
    %lt3A_22 = vector.broadcast %lt3A_21 : i32 to vector<128x128xi32>
    %lt3A_23 = arith.cmpi slt, %rem3A_18, %lt3A_22 : vector<128x128xi32>
    %lt3A_24 = arith.constant 0 : i32
    %lt3A_25 = arith.cmpi slt, %select_n3A, %lt3A_24 : i32
    %ne3A_26 = vector.broadcast %lt3A_25 : i1 to vector<128x128xi1>
    %ne3A_27 = vector.broadcast %ne3A_26 : vector<128x128xi1> to vector<128x128xi1>
    %ne3A_28 = arith.xori %lt3A_23, %ne3A_27 : vector<128x128xi1>
    %and3A = arith.andi %ne3A_28, %ne3A_20 : vector<128x128xi1>
    %add3A_29 = vector.broadcast %select_n3A : i32 to vector<128x128xi32>
    %add3A_30 = arith.addi %rem3A_18, %add3A_29 : vector<128x128xi32>
    %select_n3A_31 = arith.select %and3A, %add3A_30, %rem3A_18 : vector<128x128xi1>, vector<128x128xi32>
    %select_n3A_32 = arith.select %lt3A_8, %get3A_12, %select_n3A_31 : vector<128x128xi1>, vector<128x128xi32>
    %swap3A = arith.constant 0 : index
    %swap3A_33 = arith.constant 0 : index
    %swap3A_34 = vector.load %arg2[%swap3A, %swap3A_33] : memref<128x128xi32, #tpu.memory_space<vmem>>, vector<128x128xi32>
    tpu.vector_store %arg2[%swap3A, %swap3A_33], %select_n3A_32 {strides = array<i32>} : memref<128x128xi32, #tpu.memory_space<vmem>>, vector<128x128xi32>,
    %get3A_35 = arith.constant 1 : index
    %get3A_36 = arith.constant 0 : index
    %get3A_37 = arith.constant 0 : index
    %get3A_38 = vector.load %arg1[%get3A_35, %get3A_36, %get3A_37] : memref<2x128x128xi32, #tpu.memory_space<vmem>>, vector<1x128x128xi32>
    %get3A_39 = vector.shape_cast %get3A_38 : vector<1x128x128xi32> to vector<128x128xi32>
    %jit3A_40 = arith.constant 112 : i32
    %eq3A_41 = arith.constant 0 : i32
    %eq3A_42 = arith.cmpi eq, %jit3A_40, %eq3A_41 : i32
    %jit3A_43 = arith.constant 1 : i32
    %select_n3A_44 = arith.select %eq3A_42, %jit3A_43, %jit3A_40 : i32
    %rem3A_45 = vector.broadcast %select_n3A_44 : i32 to vector<128x128xi32>
    %rem3A_46 = arith.remsi %add3A_6, %rem3A_45 : vector<128x128xi32>
    %ne3A_47 = arith.constant 0 : i32
    %ne3A_48 = vector.broadcast %ne3A_47 : i32 to vector<128x128xi32>
    %ne3A_49 = arith.cmpi ne, %rem3A_46, %ne3A_48 : vector<128x128xi32>
    %lt3A_50 = arith.constant 0 : i32
    %lt3A_51 = vector.broadcast %lt3A_50 : i32 to vector<128x128xi32>
    %lt3A_52 = arith.cmpi slt, %rem3A_46, %lt3A_51 : vector<128x128xi32>
    %lt3A_53 = arith.constant 0 : i32
    %lt3A_54 = arith.cmpi slt, %select_n3A_44, %lt3A_53 : i32
    %ne3A_55 = vector.broadcast %lt3A_54 : i1 to vector<128x128xi1>
    %ne3A_56 = vector.broadcast %ne3A_55 : vector<128x128xi1> to vector<128x128xi1>
    %ne3A_57 = arith.xori %lt3A_52, %ne3A_56 : vector<128x128xi1>
    %and3A_58 = arith.andi %ne3A_57, %ne3A_49 : vector<128x128xi1>
    %add3A_59 = vector.broadcast %select_n3A_44 : i32 to vector<128x128xi32>
    %add3A_60 = arith.addi %rem3A_46, %add3A_59 : vector<128x128xi32>
    %select_n3A_61 = arith.select %and3A_58, %add3A_60, %rem3A_46 : vector<128x128xi1>, vector<128x128xi32>
    %add3A_62 = arith.constant 10000 : i32
    %add3A_63 = vector.broadcast %add3A_62 : i32 to vector<128x128xi32>
    %add3A_64 = arith.addi %add3A_63, %select_n3A_61 : vector<128x128xi32>
    %select_n3A_65 = arith.select %lt3A_8, %get3A_39, %add3A_64 : vector<128x128xi1>, vector<128x128xi32>
    %swap3A_66 = arith.constant 0 : index
    %swap3A_67 = arith.constant 0 : index
    %swap3A_68 = vector.load %arg3[%swap3A_66, %swap3A_67] : memref<128x128xi32, #tpu.memory_space<vmem>>, vector<128x128xi32>
    tpu.vector_store %arg3[%swap3A_66, %swap3A_67], %select_n3A_65 {strides = array<i32>} : memref<128x128xi32, #tpu.memory_space<vmem>>, vector<128x128xi32>,
    return
  }
  func.func @transform_0(%arg0: i32) -> (i32, i32, i32) {
    %c0_i32 = arith.constant 0 : i32
    %c0_i32_0 = arith.constant 0 : i32
    %c0_i32_1 = arith.constant 0 : i32
    return %c0_i32, %arg0, %c0_i32_0 : i32, i32, i32
  }
  func.func @transform_1(%arg0: i32) -> (i32, i32) {
    %c0_i32 = arith.constant 0 : i32
    %c0_i32_0 = arith.constant 0 : i32
    return %arg0, %c0_i32 : i32, i32
  }
  func.func @transform_2(%arg0: i32) -> (i32, i32) {
    %c0_i32 = arith.constant 0 : i32
    %c0_i32_0 = arith.constant 0 : i32
    return %arg0, %c0_i32 : i32, i32
  }
}

module attributes {stable_mosaic.version = 14 : i64} {
  func.func @body(%arg0: i32, %arg1: memref<400x256xf32, #tpu.memory_space<vmem>>, %arg2: memref<400x1xi32, #tpu.memory_space<vmem>>, %arg3: memref<5x256x256xf32, #tpu.memory_space<vmem>>, %arg4: memref<5x256xf32, #tpu.memory_space<vmem>>, %arg5: memref<400x256xf32, #tpu.memory_space<vmem>>) attributes {dimension_semantics = [#tpu.dimension_semantics<arbitrary>], iteration_bounds = array<i64: 25>, scalar_prefetch = 0 : i64, scratch_operands = 0 : i64, tpu.core_type = #tpu.core_type<tc>, window_params = [{transform_indices = @transform_0, window_bounds = array<i64: 400, 256>}, {transform_indices = @transform_1, window_bounds = array<i64: 400, 1>}, {pipeline_mode = #tpu.pipeline_mode<synchronous>, transform_indices = @transform_2, window_bounds = array<i64: 5, 256, 256>}, {pipeline_mode = #tpu.pipeline_mode<synchronous>, transform_indices = @transform_3, window_bounds = array<i64: 5, 256>}, {transform_indices = @transform_4, window_bounds = array<i64: 400, 256>}]} {
    %get3A = arith.constant 0 : index
    %get3A_0 = arith.constant 0 : index
    %get3A_1 = vector.load %arg1[%get3A, %get3A_0] : memref<400x256xf32, #tpu.memory_space<vmem>>, vector<400x256xf32>
    %get3A_2 = arith.constant 0 : index
    %get3A_3 = arith.constant 0 : index
    %get3A_4 = vector.load %arg2[%get3A_2, %get3A_3] : memref<400x1xi32, #tpu.memory_space<vmem>>, vector<400x1xi32>
    %broadcast_in_dim3A = arith.constant 0.000000e+00 : f32
    %broadcast_in_dim3A_5 = vector.broadcast %broadcast_in_dim3A : f32 to vector<400x256xf32>
    %get3A_6 = arith.constant 0 : index
    %get3A_7 = arith.constant 0 : index
    %get3A_8 = arith.constant 0 : index
    %get3A_9 = vector.load %arg3[%get3A_6, %get3A_7, %get3A_8] : memref<5x256x256xf32, #tpu.memory_space<vmem>>, vector<1x256x256xf32>
    %get3A_10 = vector.shape_cast %get3A_9 : vector<1x256x256xf32> to vector<256x256xf32>
    %dot_general3A = arith.constant dense<0.000000e+00> : vector<400x256xf32>
    %dot_general3A_11 = tpu.matmul %get3A_1, %get3A_10, %dot_general3A {dimension_numbers = #tpu.dot_dimension_numbers<[1], [0], [0], [1], [0, 0, 1, 1], [], []>, transpose_lhs_hint = false} : vector<400x256xf32>, vector<256x256xf32>, vector<400x256xf32> -> vector<400x256xf32>
    %get3A_12 = arith.constant 0 : index
    %get3A_13 = arith.constant 0 : index
    %get3A_14 = vector.load %arg4[%get3A_12, %get3A_13] : memref<5x256xf32, #tpu.memory_space<vmem>>, vector<1x256xf32>
    %get3A_15 = vector.shape_cast %get3A_14 : vector<1x256xf32> to vector<256xf32>
    %broadcast_in_dim3A_16 = vector.shape_cast %get3A_15 : vector<256xf32> to vector<1x256xf32>
    %add3A = vector.broadcast %broadcast_in_dim3A_16 : vector<1x256xf32> to vector<400x256xf32>
    %add3A_17 = arith.addf %dot_general3A_11, %add3A : vector<400x256xf32>
    %eq3A = arith.constant 0 : i32
    %eq3A_18 = vector.broadcast %eq3A : i32 to vector<400x1xi32>
    %eq3A_19 = arith.cmpi eq, %get3A_4, %eq3A_18 : vector<400x1xi32>
    %jit3A = arith.constant 0.000000e+00 : f32
    %broadcast_in_dim3A_20 = vector.shape_cast %eq3A_19 : vector<400x1xi1> to vector<400x1xi1>
    %broadcast_in_dim3A_21 = vector.broadcast %broadcast_in_dim3A_20 : vector<400x1xi1> to vector<400x256xi1>
    %broadcast_in_dim3A_22 = vector.broadcast %jit3A : f32 to vector<400x256xf32>
    %select_n3A = arith.select %broadcast_in_dim3A_21, %add3A_17, %broadcast_in_dim3A_22 : vector<400x256xi1>, vector<400x256xf32>
    %add3A_23 = arith.addf %broadcast_in_dim3A_5, %select_n3A : vector<400x256xf32>
    %get3A_24 = arith.constant 1 : index
    %get3A_25 = arith.constant 0 : index
    %get3A_26 = arith.constant 0 : index
    %get3A_27 = vector.load %arg3[%get3A_24, %get3A_25, %get3A_26] : memref<5x256x256xf32, #tpu.memory_space<vmem>>, vector<1x256x256xf32>
    %get3A_28 = vector.shape_cast %get3A_27 : vector<1x256x256xf32> to vector<256x256xf32>
    %dot_general3A_29 = arith.constant dense<0.000000e+00> : vector<400x256xf32>
    %dot_general3A_30 = tpu.matmul %get3A_1, %get3A_28, %dot_general3A_29 {dimension_numbers = #tpu.dot_dimension_numbers<[1], [0], [0], [1], [0, 0, 1, 1], [], []>, transpose_lhs_hint = false} : vector<400x256xf32>, vector<256x256xf32>, vector<400x256xf32> -> vector<400x256xf32>
    %get3A_31 = arith.constant 1 : index
    %get3A_32 = arith.constant 0 : index
    %get3A_33 = vector.load %arg4[%get3A_31, %get3A_32] : memref<5x256xf32, #tpu.memory_space<vmem>>, vector<1x256xf32>
    %get3A_34 = vector.shape_cast %get3A_33 : vector<1x256xf32> to vector<256xf32>
    %broadcast_in_dim3A_35 = vector.shape_cast %get3A_34 : vector<256xf32> to vector<1x256xf32>
    %add3A_36 = vector.broadcast %broadcast_in_dim3A_35 : vector<1x256xf32> to vector<400x256xf32>
    %add3A_37 = arith.addf %dot_general3A_30, %add3A_36 : vector<400x256xf32>
    %eq3A_38 = arith.constant 1 : i32
    %eq3A_39 = vector.broadcast %eq3A_38 : i32 to vector<400x1xi32>
    %eq3A_40 = arith.cmpi eq, %get3A_4, %eq3A_39 : vector<400x1xi32>
    %jit3A_41 = arith.constant 0.000000e+00 : f32
    %broadcast_in_dim3A_42 = vector.shape_cast %eq3A_40 : vector<400x1xi1> to vector<400x1xi1>
    %broadcast_in_dim3A_43 = vector.broadcast %broadcast_in_dim3A_42 : vector<400x1xi1> to vector<400x256xi1>
    %broadcast_in_dim3A_44 = vector.broadcast %jit3A_41 : f32 to vector<400x256xf32>
    %select_n3A_45 = arith.select %broadcast_in_dim3A_43, %add3A_37, %broadcast_in_dim3A_44 : vector<400x256xi1>, vector<400x256xf32>
    %add3A_46 = arith.addf %add3A_23, %select_n3A_45 : vector<400x256xf32>
    %get3A_47 = arith.constant 2 : index
    %get3A_48 = arith.constant 0 : index
    %get3A_49 = arith.constant 0 : index
    %get3A_50 = vector.load %arg3[%get3A_47, %get3A_48, %get3A_49] : memref<5x256x256xf32, #tpu.memory_space<vmem>>, vector<1x256x256xf32>
    %get3A_51 = vector.shape_cast %get3A_50 : vector<1x256x256xf32> to vector<256x256xf32>
    %dot_general3A_52 = arith.constant dense<0.000000e+00> : vector<400x256xf32>
    %dot_general3A_53 = tpu.matmul %get3A_1, %get3A_51, %dot_general3A_52 {dimension_numbers = #tpu.dot_dimension_numbers<[1], [0], [0], [1], [0, 0, 1, 1], [], []>, transpose_lhs_hint = false} : vector<400x256xf32>, vector<256x256xf32>, vector<400x256xf32> -> vector<400x256xf32>
    %get3A_54 = arith.constant 2 : index
    %get3A_55 = arith.constant 0 : index
    %get3A_56 = vector.load %arg4[%get3A_54, %get3A_55] : memref<5x256xf32, #tpu.memory_space<vmem>>, vector<1x256xf32>
    %get3A_57 = vector.shape_cast %get3A_56 : vector<1x256xf32> to vector<256xf32>
    %broadcast_in_dim3A_58 = vector.shape_cast %get3A_57 : vector<256xf32> to vector<1x256xf32>
    %add3A_59 = vector.broadcast %broadcast_in_dim3A_58 : vector<1x256xf32> to vector<400x256xf32>
    %add3A_60 = arith.addf %dot_general3A_53, %add3A_59 : vector<400x256xf32>
    %eq3A_61 = arith.constant 2 : i32
    %eq3A_62 = vector.broadcast %eq3A_61 : i32 to vector<400x1xi32>
    %eq3A_63 = arith.cmpi eq, %get3A_4, %eq3A_62 : vector<400x1xi32>
    %jit3A_64 = arith.constant 0.000000e+00 : f32
    %broadcast_in_dim3A_65 = vector.shape_cast %eq3A_63 : vector<400x1xi1> to vector<400x1xi1>
    %broadcast_in_dim3A_66 = vector.broadcast %broadcast_in_dim3A_65 : vector<400x1xi1> to vector<400x256xi1>
    %broadcast_in_dim3A_67 = vector.broadcast %jit3A_64 : f32 to vector<400x256xf32>
    %select_n3A_68 = arith.select %broadcast_in_dim3A_66, %add3A_60, %broadcast_in_dim3A_67 : vector<400x256xi1>, vector<400x256xf32>
    %add3A_69 = arith.addf %add3A_46, %select_n3A_68 : vector<400x256xf32>
    %get3A_70 = arith.constant 3 : index
    %get3A_71 = arith.constant 0 : index
    %get3A_72 = arith.constant 0 : index
    %get3A_73 = vector.load %arg3[%get3A_70, %get3A_71, %get3A_72] : memref<5x256x256xf32, #tpu.memory_space<vmem>>, vector<1x256x256xf32>
    %get3A_74 = vector.shape_cast %get3A_73 : vector<1x256x256xf32> to vector<256x256xf32>
    %dot_general3A_75 = arith.constant dense<0.000000e+00> : vector<400x256xf32>
    %dot_general3A_76 = tpu.matmul %get3A_1, %get3A_74, %dot_general3A_75 {dimension_numbers = #tpu.dot_dimension_numbers<[1], [0], [0], [1], [0, 0, 1, 1], [], []>, transpose_lhs_hint = false} : vector<400x256xf32>, vector<256x256xf32>, vector<400x256xf32> -> vector<400x256xf32>
    %get3A_77 = arith.constant 3 : index
    %get3A_78 = arith.constant 0 : index
    %get3A_79 = vector.load %arg4[%get3A_77, %get3A_78] : memref<5x256xf32, #tpu.memory_space<vmem>>, vector<1x256xf32>
    %get3A_80 = vector.shape_cast %get3A_79 : vector<1x256xf32> to vector<256xf32>
    %broadcast_in_dim3A_81 = vector.shape_cast %get3A_80 : vector<256xf32> to vector<1x256xf32>
    %add3A_82 = vector.broadcast %broadcast_in_dim3A_81 : vector<1x256xf32> to vector<400x256xf32>
    %add3A_83 = arith.addf %dot_general3A_76, %add3A_82 : vector<400x256xf32>
    %eq3A_84 = arith.constant 3 : i32
    %eq3A_85 = vector.broadcast %eq3A_84 : i32 to vector<400x1xi32>
    %eq3A_86 = arith.cmpi eq, %get3A_4, %eq3A_85 : vector<400x1xi32>
    %jit3A_87 = arith.constant 0.000000e+00 : f32
    %broadcast_in_dim3A_88 = vector.shape_cast %eq3A_86 : vector<400x1xi1> to vector<400x1xi1>
    %broadcast_in_dim3A_89 = vector.broadcast %broadcast_in_dim3A_88 : vector<400x1xi1> to vector<400x256xi1>
    %broadcast_in_dim3A_90 = vector.broadcast %jit3A_87 : f32 to vector<400x256xf32>
    %select_n3A_91 = arith.select %broadcast_in_dim3A_89, %add3A_83, %broadcast_in_dim3A_90 : vector<400x256xi1>, vector<400x256xf32>
    %add3A_92 = arith.addf %add3A_69, %select_n3A_91 : vector<400x256xf32>
    %get3A_93 = arith.constant 4 : index
    %get3A_94 = arith.constant 0 : index
    %get3A_95 = arith.constant 0 : index
    %get3A_96 = vector.load %arg3[%get3A_93, %get3A_94, %get3A_95] : memref<5x256x256xf32, #tpu.memory_space<vmem>>, vector<1x256x256xf32>
    %get3A_97 = vector.shape_cast %get3A_96 : vector<1x256x256xf32> to vector<256x256xf32>
    %dot_general3A_98 = arith.constant dense<0.000000e+00> : vector<400x256xf32>
    %dot_general3A_99 = tpu.matmul %get3A_1, %get3A_97, %dot_general3A_98 {dimension_numbers = #tpu.dot_dimension_numbers<[1], [0], [0], [1], [0, 0, 1, 1], [], []>, transpose_lhs_hint = false} : vector<400x256xf32>, vector<256x256xf32>, vector<400x256xf32> -> vector<400x256xf32>
    %get3A_100 = arith.constant 4 : index
    %get3A_101 = arith.constant 0 : index
    %get3A_102 = vector.load %arg4[%get3A_100, %get3A_101] : memref<5x256xf32, #tpu.memory_space<vmem>>, vector<1x256xf32>
    %get3A_103 = vector.shape_cast %get3A_102 : vector<1x256xf32> to vector<256xf32>
    %broadcast_in_dim3A_104 = vector.shape_cast %get3A_103 : vector<256xf32> to vector<1x256xf32>
    %add3A_105 = vector.broadcast %broadcast_in_dim3A_104 : vector<1x256xf32> to vector<400x256xf32>
    %add3A_106 = arith.addf %dot_general3A_99, %add3A_105 : vector<400x256xf32>
    %eq3A_107 = arith.constant 4 : i32
    %eq3A_108 = vector.broadcast %eq3A_107 : i32 to vector<400x1xi32>
    %eq3A_109 = arith.cmpi eq, %get3A_4, %eq3A_108 : vector<400x1xi32>
    %jit3A_110 = arith.constant 0.000000e+00 : f32
    %broadcast_in_dim3A_111 = vector.shape_cast %eq3A_109 : vector<400x1xi1> to vector<400x1xi1>
    %broadcast_in_dim3A_112 = vector.broadcast %broadcast_in_dim3A_111 : vector<400x1xi1> to vector<400x256xi1>
    %broadcast_in_dim3A_113 = vector.broadcast %jit3A_110 : f32 to vector<400x256xf32>
    %select_n3A_114 = arith.select %broadcast_in_dim3A_112, %add3A_106, %broadcast_in_dim3A_113 : vector<400x256xi1>, vector<400x256xf32>
    %add3A_115 = arith.addf %add3A_92, %select_n3A_114 : vector<400x256xf32>
    %swap3A = arith.constant 0 : index
    %swap3A_116 = arith.constant 0 : index
    %swap3A_117 = vector.load %arg5[%swap3A, %swap3A_116] : memref<400x256xf32, #tpu.memory_space<vmem>>, vector<400x256xf32>
    tpu.vector_store %arg5[%swap3A, %swap3A_116], %add3A_115 {strides = array<i32>} : memref<400x256xf32, #tpu.memory_space<vmem>>, vector<400x256xf32>,
    return
  }
  func.func @transform_0(%arg0: i32) -> (i32, i32) {
    %c0_i32 = arith.constant 0 : i32
    %c0_i32_0 = arith.constant 0 : i32
    return %arg0, %c0_i32 : i32, i32
  }
  func.func @transform_1(%arg0: i32) -> (i32, i32) {
    %c0_i32 = arith.constant 0 : i32
    %c0_i32_0 = arith.constant 0 : i32
    return %arg0, %c0_i32 : i32, i32
  }
  func.func @transform_2(%arg0: i32) -> (i32, i32, i32) {
    %c0_i32 = arith.constant 0 : i32
    %c0_i32_0 = arith.constant 0 : i32
    %c0_i32_1 = arith.constant 0 : i32
    %c0_i32_2 = arith.constant 0 : i32
    return %c0_i32, %c0_i32_0, %c0_i32_1 : i32, i32, i32
  }
  func.func @transform_3(%arg0: i32) -> (i32, i32) {
    %c0_i32 = arith.constant 0 : i32
    %c0_i32_0 = arith.constant 0 : i32
    %c0_i32_1 = arith.constant 0 : i32
    return %c0_i32, %c0_i32_0 : i32, i32
  }
  func.func @transform_4(%arg0: i32) -> (i32, i32) {
    %c0_i32 = arith.constant 0 : i32
    %c0_i32_0 = arith.constant 0 : i32
    return %arg0, %c0_i32 : i32, i32
  }
}

module attributes {stable_mosaic.version = 14 : i64} {
  func.func @body(%arg0: i32, %arg1: memref<2x2000x128xf32, #tpu.memory_space<vmem>>, %arg2: memref<2000x256xf32, #tpu.memory_space<vmem>>, %arg3: memref<2000x1xi32, #tpu.memory_space<vmem>>, %arg4: memref<5x256x256xf32, #tpu.memory_space<vmem>>, %arg5: memref<2000x256xf32, #tpu.memory_space<vmem>>) attributes {dimension_semantics = [#tpu.dimension_semantics<arbitrary>], iteration_bounds = array<i64: 5>, scalar_prefetch = 0 : i64, scratch_operands = 0 : i64, tpu.core_type = #tpu.core_type<tc>, window_params = [{transform_indices = @transform_0, window_bounds = array<i64: 2, 2000, 128>}, {transform_indices = @transform_1, window_bounds = array<i64: 2000, 256>}, {transform_indices = @transform_2, window_bounds = array<i64: 2000, 1>}, {pipeline_mode = #tpu.pipeline_mode<synchronous>, transform_indices = @transform_3, window_bounds = array<i64: 5, 256, 256>}, {transform_indices = @transform_4, window_bounds = array<i64: 2000, 256>}]} {
    %get3A = arith.constant 0 : index
    %get3A_0 = arith.constant 0 : index
    %get3A_1 = arith.constant 0 : index
    %get3A_2 = vector.load %arg1[%get3A, %get3A_0, %get3A_1] : memref<2x2000x128xf32, #tpu.memory_space<vmem>>, vector<1x2000x128xf32>
    %get3A_3 = vector.shape_cast %get3A_2 : vector<1x2000x128xf32> to vector<2000x128xf32>
    %get3A_4 = arith.constant 1 : index
    %get3A_5 = arith.constant 0 : index
    %get3A_6 = arith.constant 0 : index
    %get3A_7 = vector.load %arg1[%get3A_4, %get3A_5, %get3A_6] : memref<2x2000x128xf32, #tpu.memory_space<vmem>>, vector<1x2000x128xf32>
    %get3A_8 = vector.shape_cast %get3A_7 : vector<1x2000x128xf32> to vector<2000x128xf32>
    %get3A_9 = arith.constant 0 : index
    %get3A_10 = arith.constant 0 : index
    %get3A_11 = vector.load %arg3[%get3A_9, %get3A_10] : memref<2000x1xi32, #tpu.memory_space<vmem>>, vector<2000x1xi32>
    %get3A_12 = arith.constant 0 : index
    %get3A_13 = arith.constant 0 : index
    %get3A_14 = vector.load %arg2[%get3A_12, %get3A_13] : memref<2000x256xf32, #tpu.memory_space<vmem>>, vector<2000x256xf32>
    %get3A_15 = arith.constant 0 : index
    %get3A_16 = arith.constant 0 : index
    %get3A_17 = arith.constant 0 : index
    %get3A_18 = vector.load %arg4[%get3A_15, %get3A_16, %get3A_17] : memref<5x256x256xf32, #tpu.memory_space<vmem>>, vector<1x256x256xf32>
    %get3A_19 = vector.shape_cast %get3A_18 : vector<1x256x256xf32> to vector<256x256xf32>
    %slice3A = vector.extract_strided_slice %get3A_19 {offsets = [0, 0], sizes = [128, 256], strides = [1, 1]} : vector<256x256xf32> to vector<128x256xf32>
    %dot_general3A = arith.constant dense<0.000000e+00> : vector<2000x256xf32>
    %dot_general3A_20 = tpu.matmul %get3A_3, %slice3A, %dot_general3A {dimension_numbers = #tpu.dot_dimension_numbers<[1], [0], [0], [1], [0, 0, 1, 1], [], []>, transpose_lhs_hint = false} : vector<2000x128xf32>, vector<128x256xf32>, vector<2000x256xf32> -> vector<2000x256xf32>
    %slice3A_21 = vector.extract_strided_slice %get3A_19 {offsets = [128, 0], sizes = [128, 256], strides = [1, 1]} : vector<256x256xf32> to vector<128x256xf32>
    %dot_general3A_22 = arith.constant dense<0.000000e+00> : vector<2000x256xf32>
    %dot_general3A_23 = tpu.matmul %get3A_8, %slice3A_21, %dot_general3A_22 {dimension_numbers = #tpu.dot_dimension_numbers<[1], [0], [0], [1], [0, 0, 1, 1], [], []>, transpose_lhs_hint = false} : vector<2000x128xf32>, vector<128x256xf32>, vector<2000x256xf32> -> vector<2000x256xf32>
    %add3A = arith.addf %dot_general3A_20, %dot_general3A_23 : vector<2000x256xf32>
    %eq3A = arith.constant 0 : i32
    %eq3A_24 = vector.broadcast %eq3A : i32 to vector<2000x1xi32>
    %eq3A_25 = arith.cmpi eq, %get3A_11, %eq3A_24 : vector<2000x1xi32>
    %jit3A = arith.constant 0.000000e+00 : f32
    %broadcast_in_dim3A = vector.shape_cast %eq3A_25 : vector<2000x1xi1> to vector<2000x1xi1>
    %broadcast_in_dim3A_26 = vector.broadcast %broadcast_in_dim3A : vector<2000x1xi1> to vector<2000x256xi1>
    %broadcast_in_dim3A_27 = vector.broadcast %jit3A : f32 to vector<2000x256xf32>
    %select_n3A = arith.select %broadcast_in_dim3A_26, %add3A, %broadcast_in_dim3A_27 : vector<2000x256xi1>, vector<2000x256xf32>
    %add3A_28 = arith.addf %get3A_14, %select_n3A : vector<2000x256xf32>
    %get3A_29 = arith.constant 1 : index
    %get3A_30 = arith.constant 0 : index
    %get3A_31 = arith.constant 0 : index
    %get3A_32 = vector.load %arg4[%get3A_29, %get3A_30, %get3A_31] : memref<5x256x256xf32, #tpu.memory_space<vmem>>, vector<1x256x256xf32>
    %get3A_33 = vector.shape_cast %get3A_32 : vector<1x256x256xf32> to vector<256x256xf32>
    %slice3A_34 = vector.extract_strided_slice %get3A_33 {offsets = [0, 0], sizes = [128, 256], strides = [1, 1]} : vector<256x256xf32> to vector<128x256xf32>
    %dot_general3A_35 = arith.constant dense<0.000000e+00> : vector<2000x256xf32>
    %dot_general3A_36 = tpu.matmul %get3A_3, %slice3A_34, %dot_general3A_35 {dimension_numbers = #tpu.dot_dimension_numbers<[1], [0], [0], [1], [0, 0, 1, 1], [], []>, transpose_lhs_hint = false} : vector<2000x128xf32>, vector<128x256xf32>, vector<2000x256xf32> -> vector<2000x256xf32>
    %slice3A_37 = vector.extract_strided_slice %get3A_33 {offsets = [128, 0], sizes = [128, 256], strides = [1, 1]} : vector<256x256xf32> to vector<128x256xf32>
    %dot_general3A_38 = arith.constant dense<0.000000e+00> : vector<2000x256xf32>
    %dot_general3A_39 = tpu.matmul %get3A_8, %slice3A_37, %dot_general3A_38 {dimension_numbers = #tpu.dot_dimension_numbers<[1], [0], [0], [1], [0, 0, 1, 1], [], []>, transpose_lhs_hint = false} : vector<2000x128xf32>, vector<128x256xf32>, vector<2000x256xf32> -> vector<2000x256xf32>
    %add3A_40 = arith.addf %dot_general3A_36, %dot_general3A_39 : vector<2000x256xf32>
    %eq3A_41 = arith.constant 1 : i32
    %eq3A_42 = vector.broadcast %eq3A_41 : i32 to vector<2000x1xi32>
    %eq3A_43 = arith.cmpi eq, %get3A_11, %eq3A_42 : vector<2000x1xi32>
    %jit3A_44 = arith.constant 0.000000e+00 : f32
    %broadcast_in_dim3A_45 = vector.shape_cast %eq3A_43 : vector<2000x1xi1> to vector<2000x1xi1>
    %broadcast_in_dim3A_46 = vector.broadcast %broadcast_in_dim3A_45 : vector<2000x1xi1> to vector<2000x256xi1>
    %broadcast_in_dim3A_47 = vector.broadcast %jit3A_44 : f32 to vector<2000x256xf32>
    %select_n3A_48 = arith.select %broadcast_in_dim3A_46, %add3A_40, %broadcast_in_dim3A_47 : vector<2000x256xi1>, vector<2000x256xf32>
    %add3A_49 = arith.addf %add3A_28, %select_n3A_48 : vector<2000x256xf32>
    %get3A_50 = arith.constant 2 : index
    %get3A_51 = arith.constant 0 : index
    %get3A_52 = arith.constant 0 : index
    %get3A_53 = vector.load %arg4[%get3A_50, %get3A_51, %get3A_52] : memref<5x256x256xf32, #tpu.memory_space<vmem>>, vector<1x256x256xf32>
    %get3A_54 = vector.shape_cast %get3A_53 : vector<1x256x256xf32> to vector<256x256xf32>
    %slice3A_55 = vector.extract_strided_slice %get3A_54 {offsets = [0, 0], sizes = [128, 256], strides = [1, 1]} : vector<256x256xf32> to vector<128x256xf32>
    %dot_general3A_56 = arith.constant dense<0.000000e+00> : vector<2000x256xf32>
    %dot_general3A_57 = tpu.matmul %get3A_3, %slice3A_55, %dot_general3A_56 {dimension_numbers = #tpu.dot_dimension_numbers<[1], [0], [0], [1], [0, 0, 1, 1], [], []>, transpose_lhs_hint = false} : vector<2000x128xf32>, vector<128x256xf32>, vector<2000x256xf32> -> vector<2000x256xf32>
    %slice3A_58 = vector.extract_strided_slice %get3A_54 {offsets = [128, 0], sizes = [128, 256], strides = [1, 1]} : vector<256x256xf32> to vector<128x256xf32>
    %dot_general3A_59 = arith.constant dense<0.000000e+00> : vector<2000x256xf32>
    %dot_general3A_60 = tpu.matmul %get3A_8, %slice3A_58, %dot_general3A_59 {dimension_numbers = #tpu.dot_dimension_numbers<[1], [0], [0], [1], [0, 0, 1, 1], [], []>, transpose_lhs_hint = false} : vector<2000x128xf32>, vector<128x256xf32>, vector<2000x256xf32> -> vector<2000x256xf32>
    %add3A_61 = arith.addf %dot_general3A_57, %dot_general3A_60 : vector<2000x256xf32>
    %eq3A_62 = arith.constant 2 : i32
    %eq3A_63 = vector.broadcast %eq3A_62 : i32 to vector<2000x1xi32>
    %eq3A_64 = arith.cmpi eq, %get3A_11, %eq3A_63 : vector<2000x1xi32>
    %jit3A_65 = arith.constant 0.000000e+00 : f32
    %broadcast_in_dim3A_66 = vector.shape_cast %eq3A_64 : vector<2000x1xi1> to vector<2000x1xi1>
    %broadcast_in_dim3A_67 = vector.broadcast %broadcast_in_dim3A_66 : vector<2000x1xi1> to vector<2000x256xi1>
    %broadcast_in_dim3A_68 = vector.broadcast %jit3A_65 : f32 to vector<2000x256xf32>
    %select_n3A_69 = arith.select %broadcast_in_dim3A_67, %add3A_61, %broadcast_in_dim3A_68 : vector<2000x256xi1>, vector<2000x256xf32>
    %add3A_70 = arith.addf %add3A_49, %select_n3A_69 : vector<2000x256xf32>
    %get3A_71 = arith.constant 3 : index
    %get3A_72 = arith.constant 0 : index
    %get3A_73 = arith.constant 0 : index
    %get3A_74 = vector.load %arg4[%get3A_71, %get3A_72, %get3A_73] : memref<5x256x256xf32, #tpu.memory_space<vmem>>, vector<1x256x256xf32>
    %get3A_75 = vector.shape_cast %get3A_74 : vector<1x256x256xf32> to vector<256x256xf32>
    %slice3A_76 = vector.extract_strided_slice %get3A_75 {offsets = [0, 0], sizes = [128, 256], strides = [1, 1]} : vector<256x256xf32> to vector<128x256xf32>
    %dot_general3A_77 = arith.constant dense<0.000000e+00> : vector<2000x256xf32>
    %dot_general3A_78 = tpu.matmul %get3A_3, %slice3A_76, %dot_general3A_77 {dimension_numbers = #tpu.dot_dimension_numbers<[1], [0], [0], [1], [0, 0, 1, 1], [], []>, transpose_lhs_hint = false} : vector<2000x128xf32>, vector<128x256xf32>, vector<2000x256xf32> -> vector<2000x256xf32>
    %slice3A_79 = vector.extract_strided_slice %get3A_75 {offsets = [128, 0], sizes = [128, 256], strides = [1, 1]} : vector<256x256xf32> to vector<128x256xf32>
    %dot_general3A_80 = arith.constant dense<0.000000e+00> : vector<2000x256xf32>
    %dot_general3A_81 = tpu.matmul %get3A_8, %slice3A_79, %dot_general3A_80 {dimension_numbers = #tpu.dot_dimension_numbers<[1], [0], [0], [1], [0, 0, 1, 1], [], []>, transpose_lhs_hint = false} : vector<2000x128xf32>, vector<128x256xf32>, vector<2000x256xf32> -> vector<2000x256xf32>
    %add3A_82 = arith.addf %dot_general3A_78, %dot_general3A_81 : vector<2000x256xf32>
    %eq3A_83 = arith.constant 3 : i32
    %eq3A_84 = vector.broadcast %eq3A_83 : i32 to vector<2000x1xi32>
    %eq3A_85 = arith.cmpi eq, %get3A_11, %eq3A_84 : vector<2000x1xi32>
    %jit3A_86 = arith.constant 0.000000e+00 : f32
    %broadcast_in_dim3A_87 = vector.shape_cast %eq3A_85 : vector<2000x1xi1> to vector<2000x1xi1>
    %broadcast_in_dim3A_88 = vector.broadcast %broadcast_in_dim3A_87 : vector<2000x1xi1> to vector<2000x256xi1>
    %broadcast_in_dim3A_89 = vector.broadcast %jit3A_86 : f32 to vector<2000x256xf32>
    %select_n3A_90 = arith.select %broadcast_in_dim3A_88, %add3A_82, %broadcast_in_dim3A_89 : vector<2000x256xi1>, vector<2000x256xf32>
    %add3A_91 = arith.addf %add3A_70, %select_n3A_90 : vector<2000x256xf32>
    %get3A_92 = arith.constant 4 : index
    %get3A_93 = arith.constant 0 : index
    %get3A_94 = arith.constant 0 : index
    %get3A_95 = vector.load %arg4[%get3A_92, %get3A_93, %get3A_94] : memref<5x256x256xf32, #tpu.memory_space<vmem>>, vector<1x256x256xf32>
    %get3A_96 = vector.shape_cast %get3A_95 : vector<1x256x256xf32> to vector<256x256xf32>
    %slice3A_97 = vector.extract_strided_slice %get3A_96 {offsets = [0, 0], sizes = [128, 256], strides = [1, 1]} : vector<256x256xf32> to vector<128x256xf32>
    %dot_general3A_98 = arith.constant dense<0.000000e+00> : vector<2000x256xf32>
    %dot_general3A_99 = tpu.matmul %get3A_3, %slice3A_97, %dot_general3A_98 {dimension_numbers = #tpu.dot_dimension_numbers<[1], [0], [0], [1], [0, 0, 1, 1], [], []>, transpose_lhs_hint = false} : vector<2000x128xf32>, vector<128x256xf32>, vector<2000x256xf32> -> vector<2000x256xf32>
    %slice3A_100 = vector.extract_strided_slice %get3A_96 {offsets = [128, 0], sizes = [128, 256], strides = [1, 1]} : vector<256x256xf32> to vector<128x256xf32>
    %dot_general3A_101 = arith.constant dense<0.000000e+00> : vector<2000x256xf32>
    %dot_general3A_102 = tpu.matmul %get3A_8, %slice3A_100, %dot_general3A_101 {dimension_numbers = #tpu.dot_dimension_numbers<[1], [0], [0], [1], [0, 0, 1, 1], [], []>, transpose_lhs_hint = false} : vector<2000x128xf32>, vector<128x256xf32>, vector<2000x256xf32> -> vector<2000x256xf32>
    %add3A_103 = arith.addf %dot_general3A_99, %dot_general3A_102 : vector<2000x256xf32>
    %eq3A_104 = arith.constant 4 : i32
    %eq3A_105 = vector.broadcast %eq3A_104 : i32 to vector<2000x1xi32>
    %eq3A_106 = arith.cmpi eq, %get3A_11, %eq3A_105 : vector<2000x1xi32>
    %jit3A_107 = arith.constant 0.000000e+00 : f32
    %broadcast_in_dim3A_108 = vector.shape_cast %eq3A_106 : vector<2000x1xi1> to vector<2000x1xi1>
    %broadcast_in_dim3A_109 = vector.broadcast %broadcast_in_dim3A_108 : vector<2000x1xi1> to vector<2000x256xi1>
    %broadcast_in_dim3A_110 = vector.broadcast %jit3A_107 : f32 to vector<2000x256xf32>
    %select_n3A_111 = arith.select %broadcast_in_dim3A_109, %add3A_103, %broadcast_in_dim3A_110 : vector<2000x256xi1>, vector<2000x256xf32>
    %add3A_112 = arith.addf %add3A_91, %select_n3A_111 : vector<2000x256xf32>
    %tanh3A = math.tanh %add3A_112 : vector<2000x256xf32>
    %swap3A = arith.constant 0 : index
    %swap3A_113 = arith.constant 0 : index
    %swap3A_114 = vector.load %arg5[%swap3A, %swap3A_113] : memref<2000x256xf32, #tpu.memory_space<vmem>>, vector<2000x256xf32>
    tpu.vector_store %arg5[%swap3A, %swap3A_113], %tanh3A {strides = array<i32>} : memref<2000x256xf32, #tpu.memory_space<vmem>>, vector<2000x256xf32>,
    return
  }
  func.func @transform_0(%arg0: i32) -> (i32, i32, i32) {
    %c0_i32 = arith.constant 0 : i32
    %c0_i32_0 = arith.constant 0 : i32
    %c0_i32_1 = arith.constant 0 : i32
    return %c0_i32, %arg0, %c0_i32_0 : i32, i32, i32
  }
  func.func @transform_1(%arg0: i32) -> (i32, i32) {
    %c0_i32 = arith.constant 0 : i32
    %c0_i32_0 = arith.constant 0 : i32
    return %arg0, %c0_i32 : i32, i32
  }
  func.func @transform_2(%arg0: i32) -> (i32, i32) {
    %c0_i32 = arith.constant 0 : i32
    %c0_i32_0 = arith.constant 0 : i32
    return %arg0, %c0_i32 : i32, i32
  }
  func.func @transform_3(%arg0: i32) -> (i32, i32, i32) {
    %c0_i32 = arith.constant 0 : i32
    %c0_i32_0 = arith.constant 0 : i32
    %c0_i32_1 = arith.constant 0 : i32
    %c0_i32_2 = arith.constant 0 : i32
    return %c0_i32, %c0_i32_0, %c0_i32_1 : i32, i32, i32
  }
  func.func @transform_4(%arg0: i32) -> (i32, i32) {
    %c0_i32 = arith.constant 0 : i32
    %c0_i32_0 = arith.constant 0 : i32
    return %arg0, %c0_i32 : i32, i32
  }
}

</mosaic_0001>

<sc_bundles>
// kernel: kernel.7.cloned.1.call-start
scs
__scs_entry_jumppad:
0x0: {  	(pc) =	sbr.rel $0x88, $3  }
0x1: {  	(tag) =	ssettag $0x0;
	lr =	simm.s32 $0x1  }
0x2: {  	[smem:$0x3F9A] =	sst lr;
	_ =	strace $0xD0000000  }
0x3: {  	_ = 	snop  }
0x4: {  	_ = 	snop  }
0x5: {  	_ = 	snop  }
0x6: {  	_ = 	snop  }
0x7: {  	_ = 	snop  }
__scs_overlays_trampoline_lowered:
0x8: {  	[smem:$0x3FA9] =	sst s0  }
0x9: {  	[smem:$0x3FAA] =	sst s1  }
0xa: {  	[smem:$0x3FAB] =	sst s2  }
0xb: {  	[smem:$0x3FAC] =	sst s3  }
0xc: {  	[smem:$0x3FAD] =	sst s4  }
0xd: {  	[smem:$0x3FAE] =	sst s5  }
0xe: {  	[smem:$0x3FAF] =	sst s6  }
0xf: {  	[smem:$0x3FB0] =	sst s7  }
0x10: {  	[smem:$0x3FB1] =	sst s8  }
0x11: {  	[smem:$0x3FB2] =	sst s9;
	s0 =	simm.s32 @!p0 $0x0  }
0x12: {  	s1 =	sld [smem:$0x3F98];
	s0 =	simm.s32 @p0 $0x1  }
0x13: {  	[smem:$0x3FB3] =	sst s0;
	s0 =	simm.s32 @!p1 $0x0  }
0x14: {  	s2 =	sld [smem:$0x3F97];
	s0 =	simm.s32 @p1 $0x1  }
0x15: {  	[smem:$0x3FB4] =	sst s0;
	s0 =	simm.s32 @!p2 $0x0  }
0x16: {  	s3 =	sld [smem:$0x3FDB];
	s0 =	simm.s32 @p2 $0x1  }
0x17: {  	s4 =	simm.s32 $0x1BF5;
	[smem:$0x3FB6] =	sst s0  }
0x18: {  	s0 =	sld [smem:$0x3F99];
	_ =	swait.ge [sflag:s4], $0x0  }
0x19: {  	s7 =	sld [smem:$0x3F9A]  }
0x1a: {  	s8 =	sadd.s32 $0xFFFFE003, lr  }
0x1b: {  	s9 =	sadd.s32 $0xFFFFFEF7, lr;
	s5 =	simm.s32 $0xFFFFFFFF;
	p2 =	slt.u32 s8, $0xFFFFF086  }
0x1c: {  	p1 =	slt.u32 s9, $0xF7A;
	s5 =	simm.s32 @!p2 $0x0  }
0x1d: {  	s5 =	simm.s32 @p1 $0x1;
	p0 =	seq.s32 s7, s2  }
0x1e: {  	s7 =	smul.u32 @!p0 $0xF7A, s2;
	p2 =	seq.s32 @!p0 s5, $0x0  }
0x1f: {  	s9 =	smul.u32 $0xF7A, s1;
	s8 =	simm.s32 @!p0 $0x1BF5;
	p2 =	por !p2, p0  }
0x20: {  	[sflag:s8] =	ssyncset.s32 @!p0 $0xFFFFF086;
	s6 =	sadd.s32 @!p0 s3, s7;
	s7 =	simm.s32 @!p0 $0x108  }
0x21: {  	s3 =	sadd.s32 s3, s9;
	s6 =	sadd.s32 @!p0 $0x88, s6;
	s7 =	simm.s32 @p2 $0x1082  }
0x22: {  	[simem:s7], [sflag:s8] =	dma.local @!p0 [hbm:s6], $0xF7A  }
0x23: {  	s9 =	sor.u32 $0xD0000000, s2;
	s6 =	simm.s32 $0x108;
	_ =	swait.ge @!p0 [sflag:s8], $0x0  }
0x24: {  	s3 =	sadd.s32 $0x88, s3;
	s6 =	simm.s32 @!p1 $0x1082;
	[sflag:s4] =	ssyncset.s32 $0xFFFFF086  }
0x25: {  	[simem:s6], [sflag:s4] =	dma.local [hbm:s3], $0xF7A  }
0x26: {  	[smem:$0x3F9A] =	sst s1;
	(tag) =	ssettag s2;
	_ =	strace s9  }
0x27: {  	s1 =	sld [smem:$0x3FAA]  }
0x28: {  	s2 =	sld [smem:$0x3FAB]  }
0x29: {  	s4 =	sld [smem:$0x3FAD]  }
0x2a: {  	p0 =	seq.s32 s5, $0x0;
	s5 =	sld [smem:$0x3FAE]  }
0x2b: {  	s6 =	sld [smem:$0x3FAF]  }
0x2c: {  	s7 =	sld [smem:$0x3FB0]  }
0x2d: {  	s3 =	simm.s32 $0x108;
	s8 =	sld [smem:$0x3FB1]  }
0x2e: {  	s3 =	simm.s32 @!p0 $0x1082;
	s9 =	sld [smem:$0x3FB2]  }
0x2f: {  	lr =	sadd.s32 s0, s3;
	s0 =	sld [smem:$0x3FA9]  }
0x30: {  	s3 =	sld [smem:$0x3FAC]  }
0x31: {  	[smem:$0x3FB5] =	sst s10  }
0x32: {  	s10 =	sld [smem:$0x3FB3];
	_ =	sdelay $0x3  }
0x33: {  	p0 =	seq.s32 s10, $0x1;
	s10 =	sld [smem:$0x3FB5];
	_ =	sdelay $0x3  }
0x34: {  	[smem:$0x3FB5] =	sst s10  }
0x35: {  	s10 =	sld [smem:$0x3FB4];
	_ =	sdelay $0x3  }
0x36: {  	p1 =	seq.s32 s10, $0x1;
	s10 =	sld [smem:$0x3FB5];
	_ =	sdelay $0x3  }
0x37: {  	[smem:$0x3FB5] =	sst s10  }
0x38: {  	s10 =	sld [smem:$0x3FB6]  }
0x39: {  	_ = 	snop;
	(pc) =	sbr.ind lr, $3  }
0x3a: {  	_ = 	snop  }
0x3b: {  	_ = 	snop  }
0x3c: {  	p2 =	seq.s32 s10, $0x1;
	s10 =	sld [smem:$0x3FB5]  }
0x3d: {  	_ =	shalt  }
0x3e: {  	_ =	shalt  }
0x3f: {  	_ =	shalt  }
0x40: {  	_ =	shalt  }
0x41: {  	_ =	shalt  }
0x42: {  	_ =	shalt  }
0x43: {  	_ =	shalt  }
0x44: {  	_ =	shalt  }
0x45: {  	_ =	shalt  }
0x46: {  	_ =	shalt  }
0x47: {  	_ =	shalt  }
0x48: {  	_ =	shalt  }
0x49: {  	_ =	shalt  }
0x4a: {  	_ =	shalt  }
0x4b: {  	_ =	shalt  }
0x4c: {  	_ =	shalt  }
0x4d: {  	_ =	shalt  }
0x4e: {  	_ =	shalt  }
0x4f: {  	_ =	shalt  }
0x50: {  	_ =	shalt  }
0x51: {  	_ =	shalt  }
0x52: {  	_ =	shalt  }
0x53: {  	_ =	shalt  }
0x54: {  	_ =	shalt  }
0x55: {  	_ =	shalt  }
0x56: {  	_ =	shalt  }
0x57: {  	_ =	shalt  }
0x58: {  	_ =	shalt  }
0x59: {  	_ =	shalt  }
0x5a: {  	_ =	shalt  }
0x5b: {  	_ =	shalt  }
0x5c: {  	_ =	shalt  }
0x5d: {  	_ =	shalt  }
0x5e: {  	_ =	shalt  }
0x5f: {  	_ =	shalt  }
0x60: {  	_ =	shalt  }
0x61: {  	_ =	shalt  }
0x62: {  	_ =	shalt  }
0x63: {  	_ =	shalt  }
0x64: {  	_ =	shalt  }
0x65: {  	_ =	shalt  }
0x66: {  	_ =	shalt  }
0x67: {  	_ =	shalt  }
0x68: {  	_ =	shalt  }
0x69: {  	_ =	shalt  }
0x6a: {  	_ =	shalt  }
0x6b: {  	_ =	shalt  }
0x6c: {  	_ =	shalt  }
0x6d: {  	_ =	shalt  }
0x6e: {  	_ =	shalt  }
0x6f: {  	_ =	shalt  }
0x70: {  	_ =	shalt  }
0x71: {  	_ =	shalt  }
0x72: {  	_ =	shalt  }
0x73: {  	_ =	shalt  }
0x74: {  	_ =	shalt  }
0x75: {  	_ =	shalt  }
0x76: {  	_ =	shalt  }
0x77: {  	_ =	shalt  }
0x78: {  	_ =	shalt  }
0x79: {  	_ =	shalt  }
0x7a: {  	_ =	shalt  }
0x7b: {  	_ =	shalt  }
0x7c: {  	_ =	shalt  }
0x7d: {  	_ =	shalt  }
0x7e: {  	_ =	shalt  }
0x7f: {  	_ =	shalt  }
0x80: {  	_ =	shalt  }
0x81: {  	_ =	shalt  }
0x82: {  	_ =	shalt  }
0x83: {  	_ =	shalt  }
0x84: {  	_ =	shalt  }
0x85: {  	_ =	shalt  }
0x86: {  	_ =	shalt  }
0x87: {  	_ =	shalt  }
.Lfunc_end0:
.L_simem_size_0:
called_computation_lowered:
.L_overlay_start_0:
0x88: {  	s2 =	sld [smem:$0x3FD9]  }
0x89: {  	s3 =	sld [smem:$0x3FFE];
	_ =	sdelay $0x1  }
0x8a: {  	s1 =	srdreg.scid  }
0x8b: {  	s0 =	sand.u32 $0x1, s1  }
0x8c: {  	s17 =	sshll.u32 s0, $0xA;
	s2 =	sadd.s32 s3, s2  }
0x8d: {  	s2 =	sadd.s32 s2, s17  }
0x8e: {  	[smem:$0x3FC1] =	sst s2  }
0x8f: {  	_ = 	snop  }
0x90: {  	s2 =	sld [smem:$0x3FD0];
	(tm) =	ssettm $0x1  }
0x91: {  	s18 =	sld [smem:$0x3FFB];
	_ =	sdelay $0x3  }
0x92: {  	_ =	strace s18  }
0x93: {  	s3 =	sld [smem:$0x3FFC];
	_ =	sdelay $0x3  }
0x94: {  	_ =	strace s3  }
0x95: {  	s3 =	sld [smem:$0x3FFD];
	_ =	sdelay $0x3  }
0x96: {  	_ =	strace s3  }
0x97: {  	_ =	strace $0x8FFFFFFF  }
0x98: {  	s19 =	sld [smem:$0x3FDB];
	_ =	sdelay $0x1  }
0x99: {  	s4 =	simm.s32 $_scs_section_size  }
0x9a: {  	s5 =	simm.s32 $_size__tile_overlayer_lowered;
	s6 =	simm.s32 $_tile_overlayer_lowered  }
0x9b: {  	s22 =	simm.s32 $0x1BFF;
	s21 =	sshll.u32 s6, $0x1;
	s3 =	sadd.s32 s4, s19  }
0x9c: {  	s7 =	simm.s32 $0x0;
	s20 =	sshll.u32 s5, $0x1;
	s5 =	sadd.s32 s21, s3  }
0x9d: {  	[timem:s7], [sflag:s22] =	dma.local [hbm:s5], s20  }
0x9e: {  	_ =	swait.ge [sflag:s22], s20  }
0x9f: {  	s4 =	ssub.s32 $0x0, s20;
	[sflag:s22] =	ssyncset.done $0x0  }
0xa0: {  	[sflag:s22] =	ssyncadd.s32 s4;
	_ =	sdelay $0x1  }
0xa1: {  	s23 =	simm.s32 $0x1B8B  }
0xa2: {  	_ =	swait.ge [sflag:s23], $0x1  }
0xa3: {  	[sflag:s23] =	ssyncset.done $0x0  }
0xa4: {  	s25 =	simm.s32 $0x1B8E;
	s24 =	sld [smem:$0x3FFE];
	[sflag:s23] =	ssyncadd.s32 $0xFFFFFFFF  }
0xa5: {  	s26 =	simm.s32 $execute0_lowered;
	[smem:$0x3FD2] =	sst s25  }
0xa6: {  	s5 =	sshll.u32 s26, $0x1;
	_ =	strace $0x80000046;
	[dreg:$0x1] =	wrdreg $0xFFFFFFFF  }
0xa7: {  	s28 =	simm.s32 $_size_execute0_lowered;
	s3 =	sadd.s32 s3, s5;
	[dreg:$0x0] =	wrdreg $0x0  }
0xa8: {  	s5 =	sshll.u32 s28, $0x1;
	[dreg:$0x2] =	wrdreg s3  }
0xa9: {  	[dreg:$0x3] =	wrdreg s5  }
0xaa: {  	[dreg:$0x4] =	wrdreg $0xC0  }
0xab: {  	_ =	task [dreg:s7], $0x5FFFF  }
0xac: {  	[dreg:$0x1] =	wrdreg $0xFFFFFFFF  }
0xad: {  	[dreg:$0x0] =	wrdreg $0x60  }
0xae: {  	[dreg:$0x2] =	wrdreg s24  }
0xaf: {  	[dreg:$0x3] =	wrdreg s2  }
0xb0: {  	[dreg:$0x4] =	wrdreg $0xB8000  }
0xb1: {  	[dreg:$0x5] =	wrdreg $0x9  }
0xb2: {  	_ =	task.clear_ibuf [dreg:s7], $0x6FFFF;
	_ =	strace $0x90000046  }
0xb3: {  	s29 =	simm.s32 $0x9;
	_ =	strace $0x80000048  }
0xb4: {  	_ =	swait.ge [sflag:s29], $0x1  }
0xb5: {  	[sflag:s29] =	ssyncadd.s32 $0xFFFFFFFF  }
0xb6: {  	_ =	strace $0x90000048  }
0xb7: {  	_ =	sfence  }
0xb8: {  	s30 =	sld [smem:$0x0];
	_ =	sdelay $0x2  }
0xb9: {  	s31 =	sshll.u32 s1, $0xD;
	s1 =	sshrl.u32 s1, $0x2  }
0xba: {  	s3 =	sand.u32 $0x4000, s31;
	s1 =	sadd.s32 s1, s30  }
0xbb: {  	s0 =	sor.u32 s3, s0;
	s1 =	sshll.u32 s1, $0x11  }
0xbc: {  	s0 =	sor.u32 s1, s0  }
0xbd: {  	s0 =	sadd.s32 $0x8F2B, s0  }
0xbe: {  	[sflag:s0] =	ssyncadd.remote.s32 $0x1  }
0xbf: {  	_ =	sfence.sel $0xFFFF  }
0xc0: {  	[dreg:$0x0] =	wrdreg $0xFFFFFFFF;
	(pc) =	sbr.abs _section_cstart, $3  }
0xc1: {  	[dreg:$0x1] =	wrdreg $0xFFFFFFFF  }
0xc2: {  	_ =	task.clear_ibuf [dreg:s7], $0x2FFFF;
	_ =	strace $0x9FFFFFFF  }
0xc3: {  	(tm) =	ssettm $0x7FFFFFFF  }
tec
execute0_lowered:
.L_overlay_start_1:
0x0: {  	(tag) =	ssettag $0x1  }
0x1: {  	s6 =	rddreg [dreg:$0x0]  }
0x2: {  	s8 =	rddreg [dreg:$0x1]  }
0x3: {  	s2 =	rddreg [dreg:$0x2]  }
0x4: {  	s0 =	rddreg [dreg:$0x3];
	s3 =	simm.s32 $0x0;
	s1 =	stileid.u32  }
0x5: {  	s4 =	srdreg.scid;
	s14 =	simm.s32 $0x3800;
	s17 =	simm.s32 $0x1  }
0x6: {  	s18 =	simm.s32 $0x7800;
	s19 =	simm.s32 $0x3;
	s20 =	simm.s32 $0x2  }
0x7: {  	s21 =	simm.s32 $0x4;
	[smem:$0x7FF] =	sst s3;
	s7 =	smul.u32 $0x500, s1  }
0x8: {  	s9 =	sand.u32 $0x1, s4;
	s4 =	sadd.s32 $0x6800, s6;
	s13 =	smul.u32 $0x4F000, s1  }
0x9: {  	s5 =	sadd.s32 $0xB800, s6;
	s23 =	smul.u32 $0x2780, s1;
	s15 =	sshll.u32 s1, $0x6  }
0xa: {  	_ =	strace $0x80000047;
	s11 =	smul.u32 $0x27800, s9;
	s12 =	ssub.s32 $0x2, s9  }
0xb: {  	s9 =	smul.u32 $0x27100, s9;
	s15 =	sor.u32 $0x1C06, s15;
	s10 =	sadd.s32 s7, s6  }
0xc: {  	s30 =	sshrl.u32 s12, $0x1;
	s7 =	sadd.s32 s4, s7;
	s31 =	sshrl.u32 s13, $0x2  }
.Ltmp0:
0xd: {  	s13 =	simm.s32 $0x80;
	s11 =	sadd.s32 s11, s6;
	(pc) =	sbr.rel .LBB2_1-.Ltmp0, $4  }
0xe: {  	s12 =	ssub.s32 s12, s30;
	s6 =	sadd.s32 $0x1800, s10;
	s8 =	sadd.s32 s8, s9  }
0xf: {  	s9 =	smul.u32 $0x2800, s1;
	s16 =	sadd.s32 s31, s2;
	s22 =	sadd.s32 $0xE000, s11  }
0x10: {  	s10 =	smax.u32 s12, $0x1;
	s11 =	simm.s32 $0x6;
	s12 =	simm.s32 $0x2800  }
0x11: {  	s16 =	sshrl.u32 s16, $0x3;
	s22 =	sadd.s32 s23, s22;
	s23 =	simm.s32 $0x0  }
.LBB2_5:
0x12: {  	s23 =	sadd.s32 $0x1, s23  }
0x13: {  	p0 =	sne.s32 s23, s10  }
.Ltmp1:
0x14: {  	[bflag:$0x0] =	sbarrier.arrive $0xFFFF;
	(pc) =	sbr.rel @!p0 .LBB2_6-.Ltmp1, $4  }
0x15: {  	[hbm:s22], [sflag:s15] =	dma.local [spmem:s16], $0x2780  }
0x16: {  	_ =	swait.ge [sflag:s11], $0x2780  }
0x17: {  	[sflag:s11] =	ssyncset.done $0x0  }
0x18: {  	[sflag:s11] =	ssyncadd.s32 $0xFFFFD880  }
.LBB2_1:
0x19: {  	[tilespmem:s3], [sflag:$0x6] =	stream.linear.gather [hbm4b:s6+s3], $0x2800, $0x38;
	[tilespmem:$0x1F400] =	vst v63  }
0x1a: {  	_ =	swait.ge [sflag:s11], $0x2800  }
0x1b: {  	[sflag:s11] =	ssyncset.done $0x0  }
0x1c: {  	[sflag:s11] =	ssyncadd.s32 $0xFFFFD800  }
0x1d: {  	[tilespmem:s12], [sflag:$0x6] =	stream.linear.gather [hbm4b:s7+s3], $0x800, $0x38;
	[tilespmem:$0x1F400] =	vst v63  }
0x1e: {  	_ =	swait.ge [sflag:s11], $0x800  }
0x1f: {  	[sflag:s11] =	ssyncset.done $0x0  }
0x20: {  	[sflag:s11] =	ssyncadd.s32 $0xFFFFF800  }
0x21: {  	[tilespmem:s14], [sflag:$0x1] =	stream.indirect.gather [hbm4b:s8+s13], $0x80, s3, s13, $0xb8;
	[tilespmem:$0x1F400] =	vst v63  }
0x22: {  	[spmem:s16], [sflag:s15] =	dma.local [hbm:s5], $0x2780  }
.Ltmp2:
0x23: {  	_ =	swait.ge [sflag:s11], $0x2780;
	(pc) =	sbr.rel .LBB2_2-.Ltmp2, $4  }
0x24: {  	[sflag:s11] =	ssyncset.done $0x0  }
0x25: {  	[sflag:s11] =	ssyncadd.s32 $0xFFFFD880  }
0x26: {  	[bflag:$0x0] =	sbarrier.arrive $0xFFFF  }
0x27: {  	s25 =	simm.s32 $0x0  }
.LBB2_4:
0x28: {  	s25 =	sshll.u32 s25, $0xB  }
0x29: {  	s26 =	sand.u32 $0x3FFFF800, s25  }
0x2a: {  	s25 =	sor.u32 $0x80, s26  }
0x2b: {  	[tilespmem:s18], [sflag:$0x2] =	stream.indirect.gather [hbm4b:s8+s13], $0x80, s25, s13, $0xb8;
	[tilespmem:$0x1F400] =	vst v63  }
0x2c: {  	_ =	swait.ge [sflag:s17], $0x4000  }
0x2d: {  	s25 =	sshll.u32 s28, $0xB;
	[sflag:s17] =	ssyncset.done $0x0  }
0x2e: {  	s28 =	sadd.s32 $0x2800, s25;
	[sflag:s17] =	ssyncadd.s32 $0xFFFFC000  }
0x2f: {  	[spmem:s2] =	stream.indirect.scatter.add.f32 [tilespmem:s14], [sflag:$0x3], $0x80, s28, s13, $0xb8;
	[tilespmem:$0x1F400] =	vst v63  }
0x30: {  	_ =	swait.ge [sflag:s19], $0x4000  }
0x31: {  	[sflag:s19] =	ssyncset.done $0x0  }
0x32: {  	s31 =	sor.u32 $0x100, s26;
	[sflag:s19] =	ssyncadd.s32 $0xFFFFC000  }
0x33: {  	[tilespmem:s14], [sflag:$0x1] =	stream.indirect.gather [hbm4b:s8+s13], $0x80, s31, s13, $0xb8;
	[tilespmem:$0x1F400] =	vst v63  }
0x34: {  	_ =	swait.ge [sflag:s20], $0x4000  }
0x35: {  	[sflag:s20] =	ssyncset.done $0x0  }
0x36: {  	s29 =	sadd.s32 $0x2880, s25;
	[sflag:s20] =	ssyncadd.s32 $0xFFFFC000  }
0x37: {  	[spmem:s2] =	stream.indirect.scatter.add.f32 [tilespmem:s18], [sflag:$0x4], $0x80, s29, s13, $0xb8;
	[tilespmem:$0x1F400] =	vst v63  }
0x38: {  	_ =	swait.ge [sflag:s21], $0x4000  }
0x39: {  	[sflag:s21] =	ssyncset.done $0x0  }
0x3a: {  	s30 =	sor.u32 $0x180, s26;
	[sflag:s21] =	ssyncadd.s32 $0xFFFFC000  }
0x3b: {  	[tilespmem:s18], [sflag:$0x2] =	stream.indirect.gather [hbm4b:s8+s13], $0x80, s30, s13, $0xb8;
	[tilespmem:$0x1F400] =	vst v63  }
0x3c: {  	_ =	swait.ge [sflag:s17], $0x4000  }
0x3d: {  	[sflag:s17] =	ssyncset.done $0x0  }
0x3e: {  	s31 =	sadd.s32 $0x2900, s25;
	[sflag:s17] =	ssyncadd.s32 $0xFFFFC000  }
0x3f: {  	[spmem:s2] =	stream.indirect.scatter.add.f32 [tilespmem:s14], [sflag:$0x3], $0x80, s31, s13, $0xb8;
	[tilespmem:$0x1F400] =	vst v63  }
0x40: {  	_ =	swait.ge [sflag:s19], $0x4000  }
0x41: {  	[sflag:s19] =	ssyncset.done $0x0  }
0x42: {  	s29 =	sor.u32 $0x200, s26;
	[sflag:s19] =	ssyncadd.s32 $0xFFFFC000  }
0x43: {  	[tilespmem:s14], [sflag:$0x1] =	stream.indirect.gather [hbm4b:s8+s13], $0x80, s29, s13, $0xb8;
	[tilespmem:$0x1F400] =	vst v63  }
0x44: {  	_ =	swait.ge [sflag:s20], $0x4000  }
0x45: {  	[sflag:s20] =	ssyncset.done $0x0  }
0x46: {  	s30 =	sadd.s32 $0x2980, s25;
	[sflag:s20] =	ssyncadd.s32 $0xFFFFC000  }
0x47: {  	[spmem:s2] =	stream.indirect.scatter.add.f32 [tilespmem:s18], [sflag:$0x4], $0x80, s30, s13, $0xb8;
	[tilespmem:$0x1F400] =	vst v63  }
0x48: {  	_ =	swait.ge [sflag:s21], $0x4000  }
0x49: {  	[sflag:s21] =	ssyncset.done $0x0  }
0x4a: {  	s31 =	sor.u32 $0x280, s26;
	[sflag:s21] =	ssyncadd.s32 $0xFFFFC000  }
0x4b: {  	[tilespmem:s18], [sflag:$0x2] =	stream.indirect.gather [hbm4b:s8+s13], $0x80, s31, s13, $0xb8;
	[tilespmem:$0x1F400] =	vst v63  }
0x4c: {  	_ =	swait.ge [sflag:s17], $0x4000  }
0x4d: {  	[sflag:s17] =	ssyncset.done $0x0  }
0x4e: {  	s29 =	sadd.s32 $0x2A00, s25;
	[sflag:s17] =	ssyncadd.s32 $0xFFFFC000  }
0x4f: {  	[spmem:s2] =	stream.indirect.scatter.add.f32 [tilespmem:s14], [sflag:$0x3], $0x80, s29, s13, $0xb8;
	[tilespmem:$0x1F400] =	vst v63  }
0x50: {  	_ =	swait.ge [sflag:s19], $0x4000  }
0x51: {  	[sflag:s19] =	ssyncset.done $0x0  }
0x52: {  	s30 =	sor.u32 $0x300, s26;
	[sflag:s19] =	ssyncadd.s32 $0xFFFFC000  }
0x53: {  	[tilespmem:s14], [sflag:$0x1] =	stream.indirect.gather [hbm4b:s8+s13], $0x80, s30, s13, $0xb8;
	[tilespmem:$0x1F400] =	vst v63  }
0x54: {  	_ =	swait.ge [sflag:s20], $0x4000  }
0x55: {  	[sflag:s20] =	ssyncset.done $0x0  }
0x56: {  	s31 =	sadd.s32 $0x2A80, s25;
	[sflag:s20] =	ssyncadd.s32 $0xFFFFC000  }
0x57: {  	[spmem:s2] =	stream.indirect.scatter.add.f32 [tilespmem:s18], [sflag:$0x4], $0x80, s31, s13, $0xb8;
	[tilespmem:$0x1F400] =	vst v63  }
0x58: {  	_ =	swait.ge [sflag:s21], $0x4000  }
0x59: {  	[sflag:s21] =	ssyncset.done $0x0  }
0x5a: {  	s29 =	sor.u32 $0x380, s26;
	[sflag:s21] =	ssyncadd.s32 $0xFFFFC000  }
0x5b: {  	[tilespmem:s18], [sflag:$0x2] =	stream.indirect.gather [hbm4b:s8+s13], $0x80, s29, s13, $0xb8;
	[tilespmem:$0x1F400] =	vst v63  }
0x5c: {  	_ =	swait.ge [sflag:s17], $0x4000  }
0x5d: {  	[sflag:s17] =	ssyncset.done $0x0  }
0x5e: {  	s30 =	sadd.s32 $0x2B00, s25;
	[sflag:s17] =	ssyncadd.s32 $0xFFFFC000  }
0x5f: {  	[spmem:s2] =	stream.indirect.scatter.add.f32 [tilespmem:s14], [sflag:$0x3], $0x80, s30, s13, $0xb8;
	[tilespmem:$0x1F400] =	vst v63  }
0x60: {  	_ =	swait.ge [sflag:s19], $0x4000  }
0x61: {  	[sflag:s19] =	ssyncset.done $0x0  }
0x62: {  	s31 =	sor.u32 $0x400, s26;
	[sflag:s19] =	ssyncadd.s32 $0xFFFFC000  }
0x63: {  	[tilespmem:s14], [sflag:$0x1] =	stream.indirect.gather [hbm4b:s8+s13], $0x80, s31, s13, $0xb8;
	[tilespmem:$0x1F400] =	vst v63  }
0x64: {  	_ =	swait.ge [sflag:s20], $0x4000  }
0x65: {  	[sflag:s20] =	ssyncset.done $0x0  }
0x66: {  	s29 =	sadd.s32 $0x2B80, s25;
	[sflag:s20] =	ssyncadd.s32 $0xFFFFC000  }
0x67: {  	[spmem:s2] =	stream.indirect.scatter.add.f32 [tilespmem:s18], [sflag:$0x4], $0x80, s29, s13, $0xb8;
	[tilespmem:$0x1F400] =	vst v63  }
0x68: {  	_ =	swait.ge [sflag:s21], $0x4000  }
0x69: {  	[sflag:s21] =	ssyncset.done $0x0  }
0x6a: {  	s30 =	sor.u32 $0x480, s26;
	[sflag:s21] =	ssyncadd.s32 $0xFFFFC000  }
0x6b: {  	[tilespmem:s18], [sflag:$0x2] =	stream.indirect.gather [hbm4b:s8+s13], $0x80, s30, s13, $0xb8;
	[tilespmem:$0x1F400] =	vst v63  }
0x6c: {  	_ =	swait.ge [sflag:s17], $0x4000  }
0x6d: {  	[sflag:s17] =	ssyncset.done $0x0  }
0x6e: {  	s31 =	sadd.s32 $0x2C00, s25;
	[sflag:s17] =	ssyncadd.s32 $0xFFFFC000  }
0x6f: {  	[spmem:s2] =	stream.indirect.scatter.add.f32 [tilespmem:s14], [sflag:$0x3], $0x80, s31, s13, $0xb8;
	[tilespmem:$0x1F400] =	vst v63  }
0x70: {  	_ =	swait.ge [sflag:s19], $0x4000  }
0x71: {  	[sflag:s19] =	ssyncset.done $0x0  }
0x72: {  	s29 =	sor.u32 $0x500, s26;
	[sflag:s19] =	ssyncadd.s32 $0xFFFFC000  }
0x73: {  	[tilespmem:s14], [sflag:$0x1] =	stream.indirect.gather [hbm4b:s8+s13], $0x80, s29, s13, $0xb8;
	[tilespmem:$0x1F400] =	vst v63  }
0x74: {  	_ =	swait.ge [sflag:s20], $0x4000  }
0x75: {  	[sflag:s20] =	ssyncset.done $0x0  }
0x76: {  	s30 =	sadd.s32 $0x2C80, s25;
	[sflag:s20] =	ssyncadd.s32 $0xFFFFC000  }
0x77: {  	[spmem:s2] =	stream.indirect.scatter.add.f32 [tilespmem:s18], [sflag:$0x4], $0x80, s30, s13, $0xb8;
	[tilespmem:$0x1F400] =	vst v63  }
0x78: {  	_ =	swait.ge [sflag:s21], $0x4000  }
0x79: {  	[sflag:s21] =	ssyncset.done $0x0  }
0x7a: {  	s31 =	sor.u32 $0x580, s26;
	[sflag:s21] =	ssyncadd.s32 $0xFFFFC000  }
0x7b: {  	[tilespmem:s18], [sflag:$0x2] =	stream.indirect.gather [hbm4b:s8+s13], $0x80, s31, s13, $0xb8;
	[tilespmem:$0x1F400] =	vst v63  }
0x7c: {  	_ =	swait.ge [sflag:s17], $0x4000  }
0x7d: {  	[sflag:s17] =	ssyncset.done $0x0  }
0x7e: {  	s29 =	sadd.s32 $0x2D00, s25;
	[sflag:s17] =	ssyncadd.s32 $0xFFFFC000  }
0x7f: {  	[spmem:s2] =	stream.indirect.scatter.add.f32 [tilespmem:s14], [sflag:$0x3], $0x80, s29, s13, $0xb8;
	[tilespmem:$0x1F400] =	vst v63  }
0x80: {  	_ =	swait.ge [sflag:s19], $0x4000  }
0x81: {  	[sflag:s19] =	ssyncset.done $0x0  }
0x82: {  	s30 =	sor.u32 $0x600, s26;
	[sflag:s19] =	ssyncadd.s32 $0xFFFFC000  }
0x83: {  	[tilespmem:s14], [sflag:$0x1] =	stream.indirect.gather [hbm4b:s8+s13], $0x80, s30, s13, $0xb8;
	[tilespmem:$0x1F400] =	vst v63  }
0x84: {  	_ =	swait.ge [sflag:s20], $0x4000  }
0x85: {  	[sflag:s20] =	ssyncset.done $0x0  }
0x86: {  	s31 =	sadd.s32 $0x2D80, s25;
	[sflag:s20] =	ssyncadd.s32 $0xFFFFC000  }
0x87: {  	[spmem:s2] =	stream.indirect.scatter.add.f32 [tilespmem:s18], [sflag:$0x4], $0x80, s31, s13, $0xb8;
	[tilespmem:$0x1F400] =	vst v63  }
0x88: {  	_ =	swait.ge [sflag:s21], $0x4000  }
0x89: {  	[sflag:s21] =	ssyncset.done $0x0  }
0x8a: {  	s29 =	sor.u32 $0x680, s26;
	[sflag:s21] =	ssyncadd.s32 $0xFFFFC000  }
0x8b: {  	[tilespmem:s18], [sflag:$0x2] =	stream.indirect.gather [hbm4b:s8+s13], $0x80, s29, s13, $0xb8;
	[tilespmem:$0x1F400] =	vst v63  }
0x8c: {  	_ =	swait.ge [sflag:s17], $0x4000  }
0x8d: {  	[sflag:s17] =	ssyncset.done $0x0  }
0x8e: {  	s30 =	sadd.s32 $0x2E00, s25;
	[sflag:s17] =	ssyncadd.s32 $0xFFFFC000  }
0x8f: {  	[spmem:s2] =	stream.indirect.scatter.add.f32 [tilespmem:s14], [sflag:$0x3], $0x80, s30, s13, $0xb8;
	[tilespmem:$0x1F400] =	vst v63  }
0x90: {  	_ =	swait.ge [sflag:s19], $0x4000  }
0x91: {  	[sflag:s19] =	ssyncset.done $0x0  }
0x92: {  	s31 =	sor.u32 $0x700, s26;
	[sflag:s19] =	ssyncadd.s32 $0xFFFFC000  }
0x93: {  	[tilespmem:s14], [sflag:$0x1] =	stream.indirect.gather [hbm4b:s8+s13], $0x80, s31, s13, $0xb8;
	[tilespmem:$0x1F400] =	vst v63  }
0x94: {  	_ =	swait.ge [sflag:s20], $0x4000  }
0x95: {  	[sflag:s20] =	ssyncset.done $0x0  }
0x96: {  	s29 =	sadd.s32 $0x2E80, s25;
	[sflag:s20] =	ssyncadd.s32 $0xFFFFC000  }
0x97: {  	[spmem:s2] =	stream.indirect.scatter.add.f32 [tilespmem:s18], [sflag:$0x4], $0x80, s29, s13, $0xb8;
	[tilespmem:$0x1F400] =	vst v63  }
0x98: {  	_ =	swait.ge [sflag:s21], $0x4000  }
0x99: {  	[sflag:s21] =	ssyncset.done $0x0  }
0x9a: {  	s30 =	sor.u32 $0x780, s26;
	[sflag:s21] =	ssyncadd.s32 $0xFFFFC000  }
0x9b: {  	[tilespmem:s18], [sflag:$0x2] =	stream.indirect.gather [hbm4b:s8+s13], $0x80, s30, s13, $0xb8;
	[tilespmem:$0x1F400] =	vst v63  }
0x9c: {  	_ =	swait.ge [sflag:s17], $0x4000  }
0x9d: {  	[sflag:s17] =	ssyncset.done $0x0  }
0x9e: {  	s31 =	sadd.s32 $0x2F00, s25;
	[sflag:s17] =	ssyncadd.s32 $0xFFFFC000  }
0x9f: {  	[spmem:s2] =	stream.indirect.scatter.add.f32 [tilespmem:s14], [sflag:$0x3], $0x80, s31, s13, $0xb8;
	[tilespmem:$0x1F400] =	vst v63  }
0xa0: {  	_ =	swait.ge [sflag:s19], $0x4000  }
0xa1: {  	s28 =	simm.s32 @!p0 $0x80;
	[sflag:s19] =	ssyncset.done $0x0  }
0xa2: {  	s26 =	sadd.s32 @!p0 $0x800, s26;
	s29 =	simm.s32 @!p0 $0x3800;
	[sflag:s19] =	ssyncadd.s32 $0xFFFFC000  }
0xa3: {  	[tilespmem:s29], [sflag:$0x1] =	stream.indirect.gather @!p0 [hbm4b:s8+s28], $0x80, s26, s28, $0xb8;
	[tilespmem:$0x1F400] =	vst v63  }
0xa4: {  	_ =	swait.ge [sflag:s20], $0x4000  }
0xa5: {  	p0 =	slt.u32 s24, $0x5;
	[sflag:s20] =	ssyncset.done $0x0  }
.Ltmp3:
0xa6: {  	s25 =	sadd.s32 $0x2F80, s25;
	[sflag:s20] =	ssyncadd.s32 $0xFFFFC000;
	(pc) =	sbr.rel @!p0 .LBB2_5-.Ltmp3, $4  }
0xa7: {  	[spmem:s2] =	stream.indirect.scatter.add.f32 [tilespmem:s18], [sflag:$0x6], $0x80, s25, s13, $0xb8;
	[tilespmem:$0x1F400] =	vst v63  }
0xa8: {  	_ =	swait.ge [sflag:s11], $0x4000  }
0xa9: {  	[sflag:s11] =	ssyncset.done $0x0  }
0xaa: {  	s25 =	smov.u32 s24;
	[sflag:s11] =	ssyncadd.s32 $0xFFFFC000  }
.LBB2_2:
0xab: {  	p1 =	seq.s32 s25, $0x0  }
0xac: {  	p0 =	seq.s32 @!p1 s25, $0x4  }
0xad: {  	p2 =	por p1, !p0  }
.Ltmp4:
0xae: {  	_ = 	snop;
	(pc) =	sbr.rel @!p2 .LBB2_4-.Ltmp4, $4  }
0xaf: {  	s24 =	simm.s32 @!p1 $0x5  }
0xb0: {  	_ =	swait.ge @!p1 [sflag:s24], $0x800  }
0xb1: {  	[sflag:s24] =	ssyncset.done @!p1 $0x0  }
0xb2: {  	s28 =	sand.u32 $0x1, s25;
	p0 =	por @!p1 $0x1, $0x1;
	[sflag:s24] =	ssyncadd.s32 @!p1 $0xFFFFF800  }
0xb3: {  	s24 =	sadd.s32 @!p1 $0x1, s25  }
0xb4: {  	s24 =	simm.s32 @p1 $0x1  }
.Ltmp5:
0xb5: {  	s26 =	sshll.u32 s24, $0xB;
	(pc) =	sbr.rel .LBB2_4-.Ltmp5, $4  }
0xb6: {  	s26 =	sadd.s32 s9, s26  }
0xb7: {  	s29 =	sshll.u32 s28, $0xB;
	s26 =	sshrl.u32 s26, $0x3  }
0xb8: {  	p0 =	por $0x0, $0x0;
	s29 =	ssub.s32 $0x3000, s29;
	s26 =	sadd.s32 s4, s26  }
0xb9: {  	[tilespmem:s29], [sflag:$0x5] =	stream.linear.gather [hbm4b:s26+s3], $0x800, $0x38;
	[tilespmem:$0x1F400] =	vst v63  }
.LBB2_6:
0xba: {  	_ =	sfence.sel $0x180000  }
0xbb: {  	[bflag:$0x0] =	sbarrier.arrive $0xFFFF  }
0xbc: {  	p0 =	sne.s32 s1, $0x0;
	_ =	strace $0x90000047  }
0xbd: {  	s0 =	sadd.s32 @!p0 $0x100000, s0;
	[bflag:$0x2] =	sbarrier.arrive $0xFFFF  }
0xbe: {  	[sflag:s0] =	ssyncadd.tile.s32 @!p0 $0x1;
	_ =	shalt  }
.Lfunc_end2:
_tile_overlayer_lowered:
.L_overlay_start_2:
0xbf: {  	(tag) =	ssettag $0x2  }
0xc0: {  	s0 =	rddreg [dreg:$0x0];
	s2 =	stileid.u32  }
0xc1: {  	s1 =	rddreg [dreg:$0x1];
	p0 =	sne.s32 s2, $0x0  }
0xc2: {  	s3 =	rddreg [dreg:$0x2];
	[bflag:$0x3] =	sbarrier.arrive $0xFFFF;
	s2 =	simm.s32 @!p0 $0x1C06  }
0xc3: {  	[timem:s3], [sflag:s2] =	dma.local @!p0 [hbm:s0], s1  }
0xc4: {  	s0 =	simm.s32 @!p0 $0x6  }
0xc5: {  	_ =	swait.ge @!p0 [sflag:s0], s1  }
0xc6: {  	s1 =	ssub.s32 @!p0 $0x0, s1;
	[sflag:s0] =	ssyncset.done @!p0 $0x0  }
0xc7: {  	[sflag:s0] =	ssyncadd.s32 @!p0 s1  }
0xc8: {  	[bflag:$0x3] =	sbarrier.arrive $0xFFFF  }
0xc9: {  	_ =	shalt  }

</sc_bundles>
